<compile_context>
chip_gen: v7x
topology: tpu7x:2x2x1
jax: 0.10.2.dev20260603
libtpu: 0.0.44.dev20260713+nightly
codegen_flags: <defaults>
</compile_context>

<pallas_src>
import functools

import jax
import jax.numpy as jnp
from jax import lax
from jax.experimental import pallas as pl
from jax.experimental.pallas import tpu as pltpu
from jax.experimental.pallas import tpu_sc as plsc

N = 10000
NP = 10240
E = 320000
D = 128

NC = 2
NS = 16
NW = NC * NS
EPW = E // NW
CH = 80
NCHUNK = EPW // CH
RPW = NP // NS



def _deg_body(dst_hbm, out_hbm, idx_v, ones_v, zb_v, deg_sh, sem):
    c = lax.axis_index("c")
    s = lax.axis_index("s")
    wid = s * NC + c
    pltpu.sync_copy(dst_hbm.at[wid], idx_v)

    for i in range(CH // 16):
        ones_v[pl.ds(i * 16, 16)] = jnp.ones((16,), jnp.float32)

    def fill_zero(i, carry):
        zb_v[pl.ds(i * 16, 16)] = jnp.zeros((16,), jnp.float32)
        return carry

    lax.fori_loop(0, RPW // 16, fill_zero, 0)

    pltpu.sync_copy(zb_v, deg_sh.at[pl.ds(s * RPW, RPW)])
    plsc.subcore_barrier()

    def body(j, carry):
        pltpu.sync_copy(ones_v, deg_sh.at[idx_v.at[j]], add=True)
        return carry

    lax.fori_loop(0, NCHUNK, body, 0)
    plsc.subcore_barrier()

    pltpu.sync_copy(deg_sh.at[pl.ds(s * RPW, RPW)], zb_v)
    pltpu.sync_copy(zb_v, out_hbm.at[c, pl.ds(s * RPW, RPW)])


def _scatter_body(y_hbm, pk_hbm, out_hbm,
                  pk_v, si2, di2, r0, r1, acc_sh, sem0, sem1):
    c = lax.axis_index("c")
    s = lax.axis_index("s")
    wid = s * NC + c
    pltpu.sync_copy(pk_hbm.at[wid], pk_v)

    def zrow(i, carry):
        for k8 in range(D // 16):
            r0[i, pl.ds(k8 * 16, 16)] = jnp.zeros((16,), jnp.float32)
        return carry

    lax.fori_loop(0, CH, zrow, 0)

    def zcopy(k, carry):
        pltpu.sync_copy(r0, acc_sh.at[pl.ds(s * RPW + k * CH, CH), :])
        return carry

    lax.fori_loop(0, RPW // CH, zcopy, 0)
    plsc.subcore_barrier()

    def unpack(j, b):
        for i in range(CH // 16):
            v = pk_v[j, pl.ds(i * 16, 16)]
            si2[b, pl.ds(i * 16, 16)] = v & 0xFFFF
            di2[b, pl.ds(i * 16, 16)] = v >> 16

    def body(j, carry):
        unpack(j, 0)
        pltpu.async_copy(y_hbm.at[si2.at[0]], r0, sem0).wait()
        pltpu.sync_copy(r0, acc_sh.at[di2.at[0]], add=True)
        return carry

    lax.fori_loop(0, NCHUNK, body, 0)
    plsc.subcore_barrier()

    def ocopy(k, carry):
        pltpu.sync_copy(acc_sh.at[pl.ds(s * RPW + k * CH, CH), :], r1)
        pltpu.sync_copy(r1, out_hbm.at[c, pl.ds(s * RPW + k * CH, CH), :])
        return carry

    lax.fori_loop(0, RPW // CH, ocopy, 0)


@functools.cache
def _sc_kernels():
    mesh = plsc.VectorSubcoreMesh(
        core_axis_name="c", subcore_axis_name="s", num_cores=NC)
    deg_k = pl.kernel(
        _deg_body,
        out_type=jax.ShapeDtypeStruct((NC, NP), jnp.float32),
        mesh=mesh,
        scratch_types=[
            pltpu.VMEM((NCHUNK, CH), jnp.int32),
            pltpu.VMEM((CH,), jnp.float32),
            pltpu.VMEM((RPW,), jnp.float32),
            pltpu.VMEM_SHARED((NP,), jnp.float32),
            pltpu.SemaphoreType.DMA,
        ],
    )
    scat_k = pl.kernel(
        _scatter_body,
        out_type=jax.ShapeDtypeStruct((NC, NP, D), jnp.float32),
        mesh=mesh,
        scratch_types=[
            pltpu.VMEM((NCHUNK, CH), jnp.int32),
            pltpu.VMEM((2, CH), jnp.int32),
            pltpu.VMEM((2, CH), jnp.int32),
            pltpu.VMEM((CH, D), jnp.float32),
            pltpu.VMEM((CH, D), jnp.float32),
            pltpu.VMEM_SHARED((NP, D), jnp.float32),
            pltpu.SemaphoreType.DMA,
            pltpu.SemaphoreType.DMA,
        ],
    )
    return deg_k, scat_k



_R = 2048


def _tc_a_body(degt_ref, x_ref, w_ref, dinv_ref, y_ref):
    deg = degt_ref[:, 0:1] + degt_ref[:, 1:2] + 1.0
    di = lax.rsqrt(deg)
    dinv_ref[...] = di
    y_ref[...] = di * jnp.dot(x_ref[...], w_ref[...],
                              preferred_element_type=jnp.float32)


def _tc_b_body(s_ref, y_ref, dinv_ref, b_ref, w_ref, y2_ref):
    di = dinv_ref[...]
    sm = s_ref[0] + s_ref[1] + y_ref[...]
    h = jnp.maximum(di * sm + b_ref[...], 0.0)
    y2_ref[...] = di * jnp.dot(h, w_ref[...],
                               preferred_element_type=jnp.float32)


def _tc_c_body(s_ref, y_ref, dinv_ref, b_ref, o_ref):
    sm = s_ref[0] + s_ref[1] + y_ref[...]
    o_ref[...] = dinv_ref[...] * sm + b_ref[...]


def _tc_a(degt, x, W1):
    return pl.pallas_call(
        _tc_a_body,
        grid=(NP // _R,),
        in_specs=[
            pl.BlockSpec((_R, NC), lambda i: (i, 0)),
            pl.BlockSpec((_R, D), lambda i: (i, 0)),
            pl.BlockSpec((D, D), lambda i: (0, 0)),
        ],
        out_specs=[
            pl.BlockSpec((_R, 1), lambda i: (i, 0)),
            pl.BlockSpec((_R, D), lambda i: (i, 0)),
        ],
        out_shape=[
            jax.ShapeDtypeStruct((NP, 1), jnp.float32),
            jax.ShapeDtypeStruct((NP, D), jnp.float32),
        ],
    )(degt, x, W1)


def _tc_b(S1, y1, dinv, b1, W2):
    return pl.pallas_call(
        _tc_b_body,
        grid=(NP // _R,),
        in_specs=[
            pl.BlockSpec((NC, _R, D), lambda i: (0, i, 0)),
            pl.BlockSpec((_R, D), lambda i: (i, 0)),
            pl.BlockSpec((_R, 1), lambda i: (i, 0)),
            pl.BlockSpec((1, D), lambda i: (0, 0)),
            pl.BlockSpec((D, D), lambda i: (0, 0)),
        ],
        out_specs=pl.BlockSpec((_R, D), lambda i: (i, 0)),
        out_shape=jax.ShapeDtypeStruct((NP, D), jnp.float32),
    )(S1, y1, dinv, b1, W2)


def _tc_c(S2, y2, dinv, b2):
    return pl.pallas_call(
        _tc_c_body,
        grid=(NP // _R,),
        in_specs=[
            pl.BlockSpec((NC, _R, D), lambda i: (0, i, 0)),
            pl.BlockSpec((_R, D), lambda i: (i, 0)),
            pl.BlockSpec((_R, 1), lambda i: (i, 0)),
            pl.BlockSpec((1, D), lambda i: (0, 0)),
        ],
        out_specs=pl.BlockSpec((_R, D), lambda i: (i, 0)),
        out_shape=jax.ShapeDtypeStruct((NP, D), jnp.float32),
    )(S2, y2, dinv, b2)



def kernel(x, edge_index, W1, b1, W2, b2):
    deg_k, scat_k = _sc_kernels()
    src = edge_index[0].astype(jnp.int32).reshape(NW, NCHUNK, CH)
    dst = edge_index[1].astype(jnp.int32).reshape(NW, NCHUNK, CH)
    xp = jnp.pad(x, ((0, NP - N), (0, 0)))
    packed = src | (dst << 16)
    deg2 = deg_k(dst)
    dinv, y1 = _tc_a(deg2.T, xp, W1)
    S1 = scat_k(y1, packed)
    y2 = _tc_b(S1, y1, dinv, b1.reshape(1, D), W2)
    S2 = scat_k(y2, packed)
    return _tc_c(S2, y2, dinv, b2.reshape(1, D))[:N]

# --- scband reference (transcript-rebuilt; emitter-appended) ---
"""Pipeline reference for scband-gnn-1881195675815 (READ-ONLY COPY).

The authoritative reference and input builder live on the scoring server;
editing this copy changes nothing except your own understanding.
"""

import jax, jax.numpy as jnp
import numpy as np

N_NODES = 10000
N_EDGES = 320000
D_FEAT = 128
D_HID = 128
D_OUT = 128


def setup_inputs(seed: int = 0) -> dict:
    key = jax.random.key(seed)
    k1, k2, k3, k4, k5, k6 = jax.random.split(key, 6)
    x = jax.random.normal(k1, (N_NODES, D_FEAT), dtype=jnp.float32)
    edge_index = jax.random.randint(k2, (2, N_EDGES), 0, N_NODES, dtype=jnp.int64)
    # Learned parameters for a 2-layer GCN stack (the module's ModuleList is
    # populated with GCNConv-style layers at build time).
    s1 = 1.0 / np.sqrt(D_FEAT)
    s2 = 1.0 / np.sqrt(D_HID)
    W1 = jax.random.uniform(k3, (D_FEAT, D_HID), dtype=jnp.float32, minval=-s1, maxval=s1)
    b1 = jnp.zeros((D_HID,), dtype=jnp.float32)
    W2 = jax.random.uniform(k4, (D_HID, D_OUT), dtype=jnp.float32, minval=-s2, maxval=s2)
    b2 = jnp.zeros((D_OUT,), dtype=jnp.float32)
    return {"x": x, "edge_index": edge_index, "W1": W1, "b1": b1, "W2": W2, "b2": b2}


def _gcn_conv(x, src, dst, W, b, n_nodes):
    # GCNConv with self-loops and symmetric normalization:
    # H = D^{-1/2} (A + I) D^{-1/2} X W + b
    deg = jnp.zeros((n_nodes,), dtype=jnp.float32).at[dst].add(1.0) + 1.0
    dinv = jax.lax.rsqrt(deg)
    xw = x @ W
    norm = (dinv[src] * dinv[dst])[:, None]
    msg = jnp.take(xw, src, axis=0) * norm
    agg = jnp.zeros((n_nodes, xw.shape[1]), dtype=xw.dtype).at[dst].add(msg)
    agg = agg + xw * (dinv * dinv)[:, None]  # self-loop contribution
    return agg + b


def reference(x, edge_index, W1, b1, W2, b2):
    src = edge_index[0]
    dst = edge_index[1]
    n = x.shape[0]
    # for layer in layers[:-1]: x = relu(layer(x, adj_t))
    h = _gcn_conv(x, src, dst, W1, b1, n)
    h = jax.nn.relu(h)
    # x = layers[-1](x, adj_t)
    out = _gcn_conv(h, src, dst, W2, b2, n)
    return out

if __name__ == "__main__":
    import jax
    _d = setup_inputs()
    print(jax.jit(kernel)(*tuple(_d.values())))

</pallas_src>

<mosaic_0001>
#map = affine_map<(d0, d1) -> (0, 0, 0)>
#map1 = affine_map<(d0, d1) -> (0, 0)>
module attributes {stable_mosaic.version = 14 : i64} {
  func.func @_deg_body(%arg0: i32, %arg1: i32, %arg2: memref<32x125x80xi32, #tpu.memory_space<hbm>>, %arg3: memref<2x10240xf32, #tpu.memory_space<hbm>>, %arg4: memref<125x80xi32, #tpu.memory_space<vmem>>, %arg5: memref<80xf32, #tpu.memory_space<vmem>>, %arg6: memref<640xf32, #tpu.memory_space<vmem>>, %arg7: memref<10240xf32, #tpu.memory_space<vmem_shared>>, %arg8: memref<!tpu.dma_semaphore, #tpu.memory_space<semaphore_mem>>) attributes {dimension_semantics = [#tpu.dimension_semantics<core_parallel>, #tpu.dimension_semantics<subcore_parallel>], iteration_bounds = array<i64: 2, 16>, scalar_prefetch = 0 : i64, scratch_operands = 5 : i64, tpu.core_type = #tpu.core_type<sc_vector_subcore>, window_params = [{transform_indices = #map}, {transform_indices = #map1}]} {
    %mul3A = arith.constant 2 : i32
    %mul3A_0 = arith.muli %arg1, %mul3A : i32
    %add3A = arith.addi %mul3A_0, %arg0 : i32
    "tpu.region"() ({
      %run_scoped3A = tpu.sem_alloc : memref<!tpu.dma_semaphore, #tpu.memory_space<semaphore_mem>>
      %dma_start3A = arith.constant 0 : i32
      %dma_start3A_47 = arith.constant 0 : i32
      %dma_start3A_48 = tpu.memref_slice %arg2[%add3A, %dma_start3A, %dma_start3A_47] : memref<32x125x80xi32, #tpu.memory_space<hbm>> -> memref<1x125x80xi32, #tpu.memory_space<hbm>>
      %dma_start3A_49 = tpu.memref_squeeze %dma_start3A_48 : memref<1x125x80xi32, #tpu.memory_space<hbm>> -> memref<125x80xi32, #tpu.memory_space<hbm>>
      %dma_start3A_50 = arith.constant 0 : i32
      %dma_start3A_51 = arith.constant 0 : i32
      %dma_start3A_52 = tpu.memref_slice %arg2[%add3A, %dma_start3A_50, %dma_start3A_51] : memref<32x125x80xi32, #tpu.memory_space<hbm>> -> memref<1x125x80xi32, #tpu.memory_space<hbm>>
      %dma_start3A_53 = tpu.memref_squeeze %dma_start3A_52 : memref<1x125x80xi32, #tpu.memory_space<hbm>> -> memref<125x80xi32, #tpu.memory_space<hbm>>
      tpu.enqueue_dma source(%dma_start3A_53 : memref<125x80xi32, #tpu.memory_space<hbm>>) target(%arg4 : memref<125x80xi32, #tpu.memory_space<vmem>>) target_semaphore(%run_scoped3A : memref<!tpu.dma_semaphore, #tpu.memory_space<semaphore_mem>>)
      %dma_wait3A = arith.constant 0 : i32
      %dma_wait3A_54 = arith.constant 0 : i32
      %dma_wait3A_55 = tpu.memref_slice %arg2[%add3A, %dma_wait3A, %dma_wait3A_54] : memref<32x125x80xi32, #tpu.memory_space<hbm>> -> memref<1x125x80xi32, #tpu.memory_space<hbm>>
      %dma_wait3A_56 = tpu.memref_squeeze %dma_wait3A_55 : memref<1x125x80xi32, #tpu.memory_space<hbm>> -> memref<125x80xi32, #tpu.memory_space<hbm>>
      %dma_wait3A_57 = arith.constant 0 : i32
      %dma_wait3A_58 = arith.constant 0 : i32
      %dma_wait3A_59 = tpu.memref_slice %arg2[%add3A, %dma_wait3A_57, %dma_wait3A_58] : memref<32x125x80xi32, #tpu.memory_space<hbm>> -> memref<1x125x80xi32, #tpu.memory_space<hbm>>
      %dma_wait3A_60 = tpu.memref_squeeze %dma_wait3A_59 : memref<1x125x80xi32, #tpu.memory_space<hbm>> -> memref<125x80xi32, #tpu.memory_space<hbm>>
      tpu.wait_dma2 semaphore(%run_scoped3A : memref<!tpu.dma_semaphore, #tpu.memory_space<semaphore_mem>>) src(%dma_wait3A_60 : memref<125x80xi32, #tpu.memory_space<hbm>>) dst(%arg4 : memref<125x80xi32, #tpu.memory_space<vmem>>)
      tpu.yield
    }) : () -> ()
    %broadcast_in_dim3A = arith.constant 1.000000e+00 : f32
    %broadcast_in_dim3A_1 = vector.broadcast %broadcast_in_dim3A : f32 to vector<16xf32>
    %swap3A = arith.constant 0 : index
    %swap3A_2 = tpu.vector_load %arg5[%swap3A] {strides = array<i32>} : memref<80xf32, #tpu.memory_space<vmem>>, vector<16xf32>,
    %swap3A_3 = vector.shape_cast %swap3A_2 : vector<16xf32> to vector<16xf32>
    %swap3A_4 = vector.shape_cast %broadcast_in_dim3A_1 : vector<16xf32> to vector<16xf32>
    tpu.vector_store %arg5[%swap3A], %swap3A_4 {strides = array<i32>} : memref<80xf32, #tpu.memory_space<vmem>>, vector<16xf32>,
    %broadcast_in_dim3A_5 = arith.constant 1.000000e+00 : f32
    %broadcast_in_dim3A_6 = vector.broadcast %broadcast_in_dim3A_5 : f32 to vector<16xf32>
    %swap3A_7 = arith.constant 16 : index
    %swap3A_8 = tpu.vector_load %arg5[%swap3A_7] {strides = array<i32>} : memref<80xf32, #tpu.memory_space<vmem>>, vector<16xf32>,
    %swap3A_9 = vector.shape_cast %swap3A_8 : vector<16xf32> to vector<16xf32>
    %swap3A_10 = vector.shape_cast %broadcast_in_dim3A_6 : vector<16xf32> to vector<16xf32>
    tpu.vector_store %arg5[%swap3A_7], %swap3A_10 {strides = array<i32>} : memref<80xf32, #tpu.memory_space<vmem>>, vector<16xf32>,
    %broadcast_in_dim3A_11 = arith.constant 1.000000e+00 : f32
    %broadcast_in_dim3A_12 = vector.broadcast %broadcast_in_dim3A_11 : f32 to vector<16xf32>
    %swap3A_13 = arith.constant 32 : index
    %swap3A_14 = tpu.vector_load %arg5[%swap3A_13] {strides = array<i32>} : memref<80xf32, #tpu.memory_space<vmem>>, vector<16xf32>,
    %swap3A_15 = vector.shape_cast %swap3A_14 : vector<16xf32> to vector<16xf32>
    %swap3A_16 = vector.shape_cast %broadcast_in_dim3A_12 : vector<16xf32> to vector<16xf32>
    tpu.vector_store %arg5[%swap3A_13], %swap3A_16 {strides = array<i32>} : memref<80xf32, #tpu.memory_space<vmem>>, vector<16xf32>,
    %broadcast_in_dim3A_17 = arith.constant 1.000000e+00 : f32
    %broadcast_in_dim3A_18 = vector.broadcast %broadcast_in_dim3A_17 : f32 to vector<16xf32>
    %swap3A_19 = arith.constant 48 : index
    %swap3A_20 = tpu.vector_load %arg5[%swap3A_19] {strides = array<i32>} : memref<80xf32, #tpu.memory_space<vmem>>, vector<16xf32>,
    %swap3A_21 = vector.shape_cast %swap3A_20 : vector<16xf32> to vector<16xf32>
    %swap3A_22 = vector.shape_cast %broadcast_in_dim3A_18 : vector<16xf32> to vector<16xf32>
    tpu.vector_store %arg5[%swap3A_19], %swap3A_22 {strides = array<i32>} : memref<80xf32, #tpu.memory_space<vmem>>, vector<16xf32>,
    %broadcast_in_dim3A_23 = arith.constant 1.000000e+00 : f32
    %broadcast_in_dim3A_24 = vector.broadcast %broadcast_in_dim3A_23 : f32 to vector<16xf32>
    %swap3A_25 = arith.constant 64 : index
    %swap3A_26 = tpu.vector_load %arg5[%swap3A_25] {strides = array<i32>} : memref<80xf32, #tpu.memory_space<vmem>>, vector<16xf32>,
    %swap3A_27 = vector.shape_cast %swap3A_26 : vector<16xf32> to vector<16xf32>
    %swap3A_28 = vector.shape_cast %broadcast_in_dim3A_24 : vector<16xf32> to vector<16xf32>
    tpu.vector_store %arg5[%swap3A_25], %swap3A_28 {strides = array<i32>} : memref<80xf32, #tpu.memory_space<vmem>>, vector<16xf32>,
    %scan3A = arith.constant 0 : i32
    %scan3A_29 = arith.constant 0 : i32
    %scan3A_30 = arith.constant 40 : i32
    %scan3A_31 = arith.addi %scan3A_29, %scan3A_30 : i32
    %scan3A_32 = arith.constant 1 : i32
    scf.for %scan3A_47 = %scan3A_29 to %scan3A_31 step %scan3A_32  : i32 {
      %broadcast_in_dim3A_48 = arith.constant 0.000000e+00 : f32
      %broadcast_in_dim3A_49 = vector.broadcast %broadcast_in_dim3A_48 : f32 to vector<16xf32>
      %mul3A_50 = arith.constant 16 : i32
      %mul3A_51 = arith.muli %scan3A_47, %mul3A_50 : i32
      %swap3A_52 = arith.index_cast %mul3A_51 : i32 to index
      %swap3A_53 = tpu.vector_load %arg6[%swap3A_52] {strides = array<i32>} : memref<640xf32, #tpu.memory_space<vmem>>, vector<16xf32>,
      %swap3A_54 = vector.shape_cast %swap3A_53 : vector<16xf32> to vector<16xf32>
      %swap3A_55 = vector.shape_cast %broadcast_in_dim3A_49 : vector<16xf32> to vector<16xf32>
      tpu.vector_store %arg6[%swap3A_52], %swap3A_55 {strides = array<i32>} : memref<640xf32, #tpu.memory_space<vmem>>, vector<16xf32>,
    }
    %scan3A_33 = arith.constant 40 : i32
    %mul3A_34 = arith.constant 640 : i32
    %mul3A_35 = arith.muli %arg1, %mul3A_34 : i32
    "tpu.region"() ({
      %run_scoped3A = tpu.sem_alloc : memref<!tpu.dma_semaphore, #tpu.memory_space<semaphore_mem>>
      %dma_start3A = tpu.memref_slice %arg7[%mul3A_35] : memref<10240xf32, #tpu.memory_space<vmem_shared>> -> memref<640xf32, #tpu.memory_space<vmem_shared>>
      %dma_start3A_47 = tpu.memref_slice %arg7[%mul3A_35] : memref<10240xf32, #tpu.memory_space<vmem_shared>> -> memref<640xf32, #tpu.memory_space<vmem_shared>>
      tpu.enqueue_dma source(%arg6 : memref<640xf32, #tpu.memory_space<vmem>>) target(%dma_start3A_47 : memref<640xf32, #tpu.memory_space<vmem_shared>>) target_semaphore(%run_scoped3A : memref<!tpu.dma_semaphore, #tpu.memory_space<semaphore_mem>>)
      %dma_wait3A = tpu.memref_slice %arg7[%mul3A_35] : memref<10240xf32, #tpu.memory_space<vmem_shared>> -> memref<640xf32, #tpu.memory_space<vmem_shared>>
      %dma_wait3A_48 = tpu.memref_slice %arg7[%mul3A_35] : memref<10240xf32, #tpu.memory_space<vmem_shared>> -> memref<640xf32, #tpu.memory_space<vmem_shared>>
      tpu.wait_dma2 semaphore(%run_scoped3A : memref<!tpu.dma_semaphore, #tpu.memory_space<semaphore_mem>>) src(%arg6 : memref<640xf32, #tpu.memory_space<vmem>>) dst(%dma_wait3A_48 : memref<640xf32, #tpu.memory_space<vmem_shared>>)
      tpu.yield
    }) : () -> ()
    %barrier3A = arith.constant 0 : index
    tpu.barrier barrier_id(%barrier3A)
    %scan3A_36 = arith.constant 0 : i32
    %scan3A_37 = arith.constant 0 : i32
    %scan3A_38 = arith.constant 125 : i32
    %scan3A_39 = arith.addi %scan3A_37, %scan3A_38 : i32
    %scan3A_40 = arith.constant 1 : i32
    scf.for %scan3A_47 = %scan3A_37 to %scan3A_39 step %scan3A_40  : i32 {
      "tpu.region"() ({
        %run_scoped3A = tpu.sem_alloc : memref<!tpu.dma_semaphore, #tpu.memory_space<semaphore_mem>>
        %dma_start3A = arith.constant 0 : i32
        %dma_start3A_48 = tpu.memref_slice %arg4[%scan3A_47, %dma_start3A] : memref<125x80xi32, #tpu.memory_space<vmem>> -> memref<1x80xi32, #tpu.memory_space<vmem>>
        %dma_start3A_49 = tpu.memref_squeeze %dma_start3A_48 : memref<1x80xi32, #tpu.memory_space<vmem>> -> memref<80xi32, #tpu.memory_space<vmem>>
        %dma_start3A_50 = arith.constant 0 : i32
        %dma_start3A_51 = tpu.memref_slice %arg7[%dma_start3A_50] : memref<10240xf32, #tpu.memory_space<vmem_shared>> -> memref<10240xf32, #tpu.memory_space<vmem_shared>>
        tpu.enqueue_indirect_dma source(%arg5 : memref<80xf32, #tpu.memory_space<vmem>>) target(%dma_start3A_51 : memref<10240xf32, #tpu.memory_space<vmem_shared>>) offsets(%dma_start3A_49 : memref<80xi32, #tpu.memory_space<vmem>>) semaphore(%run_scoped3A : memref<!tpu.dma_semaphore, #tpu.memory_space<semaphore_mem>>) {add = true}
        %dma_wait3A = arith.constant 0 : i32
        %dma_wait3A_52 = tpu.memref_slice %arg4[%scan3A_47, %dma_wait3A] : memref<125x80xi32, #tpu.memory_space<vmem>> -> memref<1x80xi32, #tpu.memory_space<vmem>>
        %dma_wait3A_53 = tpu.memref_squeeze %dma_wait3A_52 : memref<1x80xi32, #tpu.memory_space<vmem>> -> memref<80xi32, #tpu.memory_space<vmem>>
        %dma_wait3A_54 = arith.constant 0 : i32
        %dma_wait3A_55 = tpu.memref_slice %arg7[%dma_wait3A_54] : memref<10240xf32, #tpu.memory_space<vmem_shared>> -> memref<10240xf32, #tpu.memory_space<vmem_shared>>
        tpu.wait_indirect_dma semaphore(%run_scoped3A : memref<!tpu.dma_semaphore, #tpu.memory_space<semaphore_mem>>) src(%arg5 : memref<80xf32, #tpu.memory_space<vmem>>) dst(%dma_wait3A_55 : memref<10240xf32, #tpu.memory_space<vmem_shared>>)
        tpu.yield
      }) : () -> ()
    }
    %scan3A_41 = arith.constant 125 : i32
    %barrier3A_42 = arith.constant 0 : index
    tpu.barrier barrier_id(%barrier3A_42)
    %mul3A_43 = arith.constant 640 : i32
    %mul3A_44 = arith.muli %arg1, %mul3A_43 : i32
    "tpu.region"() ({
      %run_scoped3A = tpu.sem_alloc : memref<!tpu.dma_semaphore, #tpu.memory_space<semaphore_mem>>
      %dma_start3A = tpu.memref_slice %arg7[%mul3A_44] : memref<10240xf32, #tpu.memory_space<vmem_shared>> -> memref<640xf32, #tpu.memory_space<vmem_shared>>
      %dma_start3A_47 = tpu.memref_slice %arg7[%mul3A_44] : memref<10240xf32, #tpu.memory_space<vmem_shared>> -> memref<640xf32, #tpu.memory_space<vmem_shared>>
      tpu.enqueue_dma source(%dma_start3A_47 : memref<640xf32, #tpu.memory_space<vmem_shared>>) target(%arg6 : memref<640xf32, #tpu.memory_space<vmem>>) target_semaphore(%run_scoped3A : memref<!tpu.dma_semaphore, #tpu.memory_space<semaphore_mem>>)
      %dma_wait3A = tpu.memref_slice %arg7[%mul3A_44] : memref<10240xf32, #tpu.memory_space<vmem_shared>> -> memref<640xf32, #tpu.memory_space<vmem_shared>>
      %dma_wait3A_48 = tpu.memref_slice %arg7[%mul3A_44] : memref<10240xf32, #tpu.memory_space<vmem_shared>> -> memref<640xf32, #tpu.memory_space<vmem_shared>>
      tpu.wait_dma2 semaphore(%run_scoped3A : memref<!tpu.dma_semaphore, #tpu.memory_space<semaphore_mem>>) src(%dma_wait3A_48 : memref<640xf32, #tpu.memory_space<vmem_shared>>) dst(%arg6 : memref<640xf32, #tpu.memory_space<vmem>>)
      tpu.yield
    }) : () -> ()
    %mul3A_45 = arith.constant 640 : i32
    %mul3A_46 = arith.muli %arg1, %mul3A_45 : i32
    "tpu.region"() ({
      %run_scoped3A = tpu.sem_alloc : memref<!tpu.dma_semaphore, #tpu.memory_space<semaphore_mem>>
      %dma_start3A = tpu.memref_slice %arg3[%arg0, %mul3A_46] : memref<2x10240xf32, #tpu.memory_space<hbm>> -> memref<1x640xf32, #tpu.memory_space<hbm>>
      %dma_start3A_47 = tpu.memref_squeeze %dma_start3A : memref<1x640xf32, #tpu.memory_space<hbm>> -> memref<640xf32, #tpu.memory_space<hbm>>
      %dma_start3A_48 = tpu.memref_slice %arg3[%arg0, %mul3A_46] : memref<2x10240xf32, #tpu.memory_space<hbm>> -> memref<1x640xf32, #tpu.memory_space<hbm>>
      %dma_start3A_49 = tpu.memref_squeeze %dma_start3A_48 : memref<1x640xf32, #tpu.memory_space<hbm>> -> memref<640xf32, #tpu.memory_space<hbm>>
      tpu.enqueue_dma source(%arg6 : memref<640xf32, #tpu.memory_space<vmem>>) target(%dma_start3A_49 : memref<640xf32, #tpu.memory_space<hbm>>) target_semaphore(%run_scoped3A : memref<!tpu.dma_semaphore, #tpu.memory_space<semaphore_mem>>)
      %dma_wait3A = tpu.memref_slice %arg3[%arg0, %mul3A_46] : memref<2x10240xf32, #tpu.memory_space<hbm>> -> memref<1x640xf32, #tpu.memory_space<hbm>>
      %dma_wait3A_50 = tpu.memref_squeeze %dma_wait3A : memref<1x640xf32, #tpu.memory_space<hbm>> -> memref<640xf32, #tpu.memory_space<hbm>>
      %dma_wait3A_51 = tpu.memref_slice %arg3[%arg0, %mul3A_46] : memref<2x10240xf32, #tpu.memory_space<hbm>> -> memref<1x640xf32, #tpu.memory_space<hbm>>
      %dma_wait3A_52 = tpu.memref_squeeze %dma_wait3A_51 : memref<1x640xf32, #tpu.memory_space<hbm>> -> memref<640xf32, #tpu.memory_space<hbm>>
      tpu.wait_dma2 semaphore(%run_scoped3A : memref<!tpu.dma_semaphore, #tpu.memory_space<semaphore_mem>>) src(%arg6 : memref<640xf32, #tpu.memory_space<vmem>>) dst(%dma_wait3A_52 : memref<640xf32, #tpu.memory_space<hbm>>)
      tpu.yield
    }) : () -> ()
    return
  }
}

#map = affine_map<(d0, d1) -> (0, 0)>
#map1 = affine_map<(d0, d1) -> (0, 0, 0)>
module attributes {stable_mosaic.version = 14 : i64} {
  func.func @_scatter_body(%arg0: i32, %arg1: i32, %arg2: memref<10240x128xf32, #tpu.memory_space<hbm>>, %arg3: memref<32x125x80xi32, #tpu.memory_space<hbm>>, %arg4: memref<2x10240x128xf32, #tpu.memory_space<hbm>>, %arg5: memref<125x80xi32, #tpu.memory_space<vmem>>, %arg6: memref<2x80xi32, #tpu.memory_space<vmem>>, %arg7: memref<2x80xi32, #tpu.memory_space<vmem>>, %arg8: memref<80x128xf32, #tpu.memory_space<vmem>>, %arg9: memref<80x128xf32, #tpu.memory_space<vmem>>, %arg10: memref<10240x128xf32, #tpu.memory_space<vmem_shared>>, %arg11: memref<!tpu.dma_semaphore, #tpu.memory_space<semaphore_mem>>, %arg12: memref<!tpu.dma_semaphore, #tpu.memory_space<semaphore_mem>>) attributes {dimension_semantics = [#tpu.dimension_semantics<core_parallel>, #tpu.dimension_semantics<subcore_parallel>], iteration_bounds = array<i64: 2, 16>, scalar_prefetch = 0 : i64, scratch_operands = 8 : i64, tpu.core_type = #tpu.core_type<sc_vector_subcore>, window_params = [{transform_indices = #map}, {transform_indices = #map1}, {transform_indices = #map1}]} {
    %mul3A = arith.constant 2 : i32
    %mul3A_0 = arith.muli %arg1, %mul3A : i32
    %add3A = arith.addi %mul3A_0, %arg0 : i32
    "tpu.region"() ({
      %run_scoped3A = tpu.sem_alloc : memref<!tpu.dma_semaphore, #tpu.memory_space<semaphore_mem>>
      %dma_start3A = arith.constant 0 : i32
      %dma_start3A_25 = arith.constant 0 : i32
      %dma_start3A_26 = tpu.memref_slice %arg3[%add3A, %dma_start3A, %dma_start3A_25] : memref<32x125x80xi32, #tpu.memory_space<hbm>> -> memref<1x125x80xi32, #tpu.memory_space<hbm>>
      %dma_start3A_27 = tpu.memref_squeeze %dma_start3A_26 : memref<1x125x80xi32, #tpu.memory_space<hbm>> -> memref<125x80xi32, #tpu.memory_space<hbm>>
      %dma_start3A_28 = arith.constant 0 : i32
      %dma_start3A_29 = arith.constant 0 : i32
      %dma_start3A_30 = tpu.memref_slice %arg3[%add3A, %dma_start3A_28, %dma_start3A_29] : memref<32x125x80xi32, #tpu.memory_space<hbm>> -> memref<1x125x80xi32, #tpu.memory_space<hbm>>
      %dma_start3A_31 = tpu.memref_squeeze %dma_start3A_30 : memref<1x125x80xi32, #tpu.memory_space<hbm>> -> memref<125x80xi32, #tpu.memory_space<hbm>>
      tpu.enqueue_dma source(%dma_start3A_31 : memref<125x80xi32, #tpu.memory_space<hbm>>) target(%arg5 : memref<125x80xi32, #tpu.memory_space<vmem>>) target_semaphore(%run_scoped3A : memref<!tpu.dma_semaphore, #tpu.memory_space<semaphore_mem>>)
      %dma_wait3A = arith.constant 0 : i32
      %dma_wait3A_32 = arith.constant 0 : i32
      %dma_wait3A_33 = tpu.memref_slice %arg3[%add3A, %dma_wait3A, %dma_wait3A_32] : memref<32x125x80xi32, #tpu.memory_space<hbm>> -> memref<1x125x80xi32, #tpu.memory_space<hbm>>
      %dma_wait3A_34 = tpu.memref_squeeze %dma_wait3A_33 : memref<1x125x80xi32, #tpu.memory_space<hbm>> -> memref<125x80xi32, #tpu.memory_space<hbm>>
      %dma_wait3A_35 = arith.constant 0 : i32
      %dma_wait3A_36 = arith.constant 0 : i32
      %dma_wait3A_37 = tpu.memref_slice %arg3[%add3A, %dma_wait3A_35, %dma_wait3A_36] : memref<32x125x80xi32, #tpu.memory_space<hbm>> -> memref<1x125x80xi32, #tpu.memory_space<hbm>>
      %dma_wait3A_38 = tpu.memref_squeeze %dma_wait3A_37 : memref<1x125x80xi32, #tpu.memory_space<hbm>> -> memref<125x80xi32, #tpu.memory_space<hbm>>
      tpu.wait_dma2 semaphore(%run_scoped3A : memref<!tpu.dma_semaphore, #tpu.memory_space<semaphore_mem>>) src(%dma_wait3A_38 : memref<125x80xi32, #tpu.memory_space<hbm>>) dst(%arg5 : memref<125x80xi32, #tpu.memory_space<vmem>>)
      tpu.yield
    }) : () -> ()
    %scan3A = arith.constant 0 : i32
    %scan3A_1 = arith.constant 0 : i32
    %scan3A_2 = arith.constant 80 : i32
    %scan3A_3 = arith.addi %scan3A_1, %scan3A_2 : i32
    %scan3A_4 = arith.constant 1 : i32
    scf.for %scan3A_25 = %scan3A_1 to %scan3A_3 step %scan3A_4  : i32 {
      %broadcast_in_dim3A = arith.constant 0.000000e+00 : f32
      %broadcast_in_dim3A_26 = vector.broadcast %broadcast_in_dim3A : f32 to vector<16xf32>
      %swap3A = arith.index_cast %scan3A_25 : i32 to index
      %swap3A_27 = arith.constant 0 : index
      %swap3A_28 = tpu.vector_load %arg8[%swap3A, %swap3A_27] {strides = array<i32>} : memref<80x128xf32, #tpu.memory_space<vmem>>, vector<1x16xf32>,
      %swap3A_29 = vector.shape_cast %swap3A_28 : vector<1x16xf32> to vector<16xf32>
      %swap3A_30 = vector.shape_cast %broadcast_in_dim3A_26 : vector<16xf32> to vector<1x16xf32>
      tpu.vector_store %arg8[%swap3A, %swap3A_27], %swap3A_30 {strides = array<i32>} : memref<80x128xf32, #tpu.memory_space<vmem>>, vector<1x16xf32>,
      %broadcast_in_dim3A_31 = arith.constant 0.000000e+00 : f32
      %broadcast_in_dim3A_32 = vector.broadcast %broadcast_in_dim3A_31 : f32 to vector<16xf32>
      %swap3A_33 = arith.index_cast %scan3A_25 : i32 to index
      %swap3A_34 = arith.constant 16 : index
      %swap3A_35 = tpu.vector_load %arg8[%swap3A_33, %swap3A_34] {strides = array<i32>} : memref<80x128xf32, #tpu.memory_space<vmem>>, vector<1x16xf32>,
      %swap3A_36 = vector.shape_cast %swap3A_35 : vector<1x16xf32> to vector<16xf32>
      %swap3A_37 = vector.shape_cast %broadcast_in_dim3A_32 : vector<16xf32> to vector<1x16xf32>
      tpu.vector_store %arg8[%swap3A_33, %swap3A_34], %swap3A_37 {strides = array<i32>} : memref<80x128xf32, #tpu.memory_space<vmem>>, vector<1x16xf32>,
      %broadcast_in_dim3A_38 = arith.constant 0.000000e+00 : f32
      %broadcast_in_dim3A_39 = vector.broadcast %broadcast_in_dim3A_38 : f32 to vector<16xf32>
      %swap3A_40 = arith.index_cast %scan3A_25 : i32 to index
      %swap3A_41 = arith.constant 32 : index
      %swap3A_42 = tpu.vector_load %arg8[%swap3A_40, %swap3A_41] {strides = array<i32>} : memref<80x128xf32, #tpu.memory_space<vmem>>, vector<1x16xf32>,
      %swap3A_43 = vector.shape_cast %swap3A_42 : vector<1x16xf32> to vector<16xf32>
      %swap3A_44 = vector.shape_cast %broadcast_in_dim3A_39 : vector<16xf32> to vector<1x16xf32>
      tpu.vector_store %arg8[%swap3A_40, %swap3A_41], %swap3A_44 {strides = array<i32>} : memref<80x128xf32, #tpu.memory_space<vmem>>, vector<1x16xf32>,
      %broadcast_in_dim3A_45 = arith.constant 0.000000e+00 : f32
      %broadcast_in_dim3A_46 = vector.broadcast %broadcast_in_dim3A_45 : f32 to vector<16xf32>
      %swap3A_47 = arith.index_cast %scan3A_25 : i32 to index
      %swap3A_48 = arith.constant 48 : index
      %swap3A_49 = tpu.vector_load %arg8[%swap3A_47, %swap3A_48] {strides = array<i32>} : memref<80x128xf32, #tpu.memory_space<vmem>>, vector<1x16xf32>,
      %swap3A_50 = vector.shape_cast %swap3A_49 : vector<1x16xf32> to vector<16xf32>
      %swap3A_51 = vector.shape_cast %broadcast_in_dim3A_46 : vector<16xf32> to vector<1x16xf32>
      tpu.vector_store %arg8[%swap3A_47, %swap3A_48], %swap3A_51 {strides = array<i32>} : memref<80x128xf32, #tpu.memory_space<vmem>>, vector<1x16xf32>,
      %broadcast_in_dim3A_52 = arith.constant 0.000000e+00 : f32
      %broadcast_in_dim3A_53 = vector.broadcast %broadcast_in_dim3A_52 : f32 to vector<16xf32>
      %swap3A_54 = arith.index_cast %scan3A_25 : i32 to index
      %swap3A_55 = arith.constant 64 : index
      %swap3A_56 = tpu.vector_load %arg8[%swap3A_54, %swap3A_55] {strides = array<i32>} : memref<80x128xf32, #tpu.memory_space<vmem>>, vector<1x16xf32>,
      %swap3A_57 = vector.shape_cast %swap3A_56 : vector<1x16xf32> to vector<16xf32>
      %swap3A_58 = vector.shape_cast %broadcast_in_dim3A_53 : vector<16xf32> to vector<1x16xf32>
      tpu.vector_store %arg8[%swap3A_54, %swap3A_55], %swap3A_58 {strides = array<i32>} : memref<80x128xf32, #tpu.memory_space<vmem>>, vector<1x16xf32>,
      %broadcast_in_dim3A_59 = arith.constant 0.000000e+00 : f32
      %broadcast_in_dim3A_60 = vector.broadcast %broadcast_in_dim3A_59 : f32 to vector<16xf32>
      %swap3A_61 = arith.index_cast %scan3A_25 : i32 to index
      %swap3A_62 = arith.constant 80 : index
      %swap3A_63 = tpu.vector_load %arg8[%swap3A_61, %swap3A_62] {strides = array<i32>} : memref<80x128xf32, #tpu.memory_space<vmem>>, vector<1x16xf32>,
      %swap3A_64 = vector.shape_cast %swap3A_63 : vector<1x16xf32> to vector<16xf32>
      %swap3A_65 = vector.shape_cast %broadcast_in_dim3A_60 : vector<16xf32> to vector<1x16xf32>
      tpu.vector_store %arg8[%swap3A_61, %swap3A_62], %swap3A_65 {strides = array<i32>} : memref<80x128xf32, #tpu.memory_space<vmem>>, vector<1x16xf32>,
      %broadcast_in_dim3A_66 = arith.constant 0.000000e+00 : f32
      %broadcast_in_dim3A_67 = vector.broadcast %broadcast_in_dim3A_66 : f32 to vector<16xf32>
      %swap3A_68 = arith.index_cast %scan3A_25 : i32 to index
      %swap3A_69 = arith.constant 96 : index
      %swap3A_70 = tpu.vector_load %arg8[%swap3A_68, %swap3A_69] {strides = array<i32>} : memref<80x128xf32, #tpu.memory_space<vmem>>, vector<1x16xf32>,
      %swap3A_71 = vector.shape_cast %swap3A_70 : vector<1x16xf32> to vector<16xf32>
      %swap3A_72 = vector.shape_cast %broadcast_in_dim3A_67 : vector<16xf32> to vector<1x16xf32>
      tpu.vector_store %arg8[%swap3A_68, %swap3A_69], %swap3A_72 {strides = array<i32>} : memref<80x128xf32, #tpu.memory_space<vmem>>, vector<1x16xf32>,
      %broadcast_in_dim3A_73 = arith.constant 0.000000e+00 : f32
      %broadcast_in_dim3A_74 = vector.broadcast %broadcast_in_dim3A_73 : f32 to vector<16xf32>
      %swap3A_75 = arith.index_cast %scan3A_25 : i32 to index
      %swap3A_76 = arith.constant 112 : index
      %swap3A_77 = tpu.vector_load %arg8[%swap3A_75, %swap3A_76] {strides = array<i32>} : memref<80x128xf32, #tpu.memory_space<vmem>>, vector<1x16xf32>,
      %swap3A_78 = vector.shape_cast %swap3A_77 : vector<1x16xf32> to vector<16xf32>
      %swap3A_79 = vector.shape_cast %broadcast_in_dim3A_74 : vector<16xf32> to vector<1x16xf32>
      tpu.vector_store %arg8[%swap3A_75, %swap3A_76], %swap3A_79 {strides = array<i32>} : memref<80x128xf32, #tpu.memory_space<vmem>>, vector<1x16xf32>,
    }
    %scan3A_5 = arith.constant 80 : i32
    %scan3A_6 = arith.constant 0 : i32
    %scan3A_7 = arith.constant 0 : i32
    %scan3A_8 = arith.constant 8 : i32
    %scan3A_9 = arith.addi %scan3A_7, %scan3A_8 : i32
    %scan3A_10 = arith.constant 1 : i32
    scf.for %scan3A_25 = %scan3A_7 to %scan3A_9 step %scan3A_10  : i32 {
      %mul3A_26 = arith.constant 640 : i32
      %mul3A_27 = arith.muli %arg1, %mul3A_26 : i32
      %mul3A_28 = arith.constant 80 : i32
      %mul3A_29 = arith.muli %scan3A_25, %mul3A_28 : i32
      %add3A_30 = arith.addi %mul3A_27, %mul3A_29 : i32
      "tpu.region"() ({
        %run_scoped3A = tpu.sem_alloc : memref<!tpu.dma_semaphore, #tpu.memory_space<semaphore_mem>>
        %dma_start3A = arith.constant 0 : i32
        %dma_start3A_31 = tpu.memref_slice %arg10[%add3A_30, %dma_start3A] : memref<10240x128xf32, #tpu.memory_space<vmem_shared>> -> memref<80x128xf32, #tpu.memory_space<vmem_shared>>
        %dma_start3A_32 = arith.constant 0 : i32
        %dma_start3A_33 = tpu.memref_slice %arg10[%add3A_30, %dma_start3A_32] : memref<10240x128xf32, #tpu.memory_space<vmem_shared>> -> memref<80x128xf32, #tpu.memory_space<vmem_shared>>
        tpu.enqueue_dma source(%arg8 : memref<80x128xf32, #tpu.memory_space<vmem>>) target(%dma_start3A_33 : memref<80x128xf32, #tpu.memory_space<vmem_shared>>) target_semaphore(%run_scoped3A : memref<!tpu.dma_semaphore, #tpu.memory_space<semaphore_mem>>)
        %dma_wait3A = arith.constant 0 : i32
        %dma_wait3A_34 = tpu.memref_slice %arg10[%add3A_30, %dma_wait3A] : memref<10240x128xf32, #tpu.memory_space<vmem_shared>> -> memref<80x128xf32, #tpu.memory_space<vmem_shared>>
        %dma_wait3A_35 = arith.constant 0 : i32
        %dma_wait3A_36 = tpu.memref_slice %arg10[%add3A_30, %dma_wait3A_35] : memref<10240x128xf32, #tpu.memory_space<vmem_shared>> -> memref<80x128xf32, #tpu.memory_space<vmem_shared>>
        tpu.wait_dma2 semaphore(%run_scoped3A : memref<!tpu.dma_semaphore, #tpu.memory_space<semaphore_mem>>) src(%arg8 : memref<80x128xf32, #tpu.memory_space<vmem>>) dst(%dma_wait3A_36 : memref<80x128xf32, #tpu.memory_space<vmem_shared>>)
        tpu.yield
      }) : () -> ()
    }
    %scan3A_11 = arith.constant 8 : i32
    %barrier3A = arith.constant 0 : index
    tpu.barrier barrier_id(%barrier3A)
    %scan3A_12 = arith.constant 0 : i32
    %scan3A_13 = arith.constant 0 : i32
    %scan3A_14 = arith.constant 125 : i32
    %scan3A_15 = arith.addi %scan3A_13, %scan3A_14 : i32
    %scan3A_16 = arith.constant 1 : i32
    scf.for %scan3A_25 = %scan3A_13 to %scan3A_15 step %scan3A_16  : i32 {
      %get3A = arith.index_cast %scan3A_25 : i32 to index
      %get3A_26 = arith.constant 0 : index
      %get3A_27 = tpu.vector_load %arg5[%get3A, %get3A_26] {strides = array<i32>} : memref<125x80xi32, #tpu.memory_space<vmem>>, vector<1x16xi32>,
      %get3A_28 = vector.shape_cast %get3A_27 : vector<1x16xi32> to vector<16xi32>
      %and3A = arith.constant 65535 : i32
      %and3A_29 = vector.broadcast %and3A : i32 to vector<16xi32>
      %and3A_30 = arith.andi %get3A_28, %and3A_29 : vector<16xi32>
      %swap3A = arith.constant 0 : i32
      %swap3A_31 = arith.index_cast %swap3A : i32 to index
      %swap3A_32 = arith.constant 0 : index
      %swap3A_33 = tpu.vector_load %arg6[%swap3A_31, %swap3A_32] {strides = array<i32>} : memref<2x80xi32, #tpu.memory_space<vmem>>, vector<1x16xi32>,
      %swap3A_34 = vector.shape_cast %swap3A_33 : vector<1x16xi32> to vector<16xi32>
      %swap3A_35 = vector.shape_cast %and3A_30 : vector<16xi32> to vector<1x16xi32>
      tpu.vector_store %arg6[%swap3A_31, %swap3A_32], %swap3A_35 {strides = array<i32>} : memref<2x80xi32, #tpu.memory_space<vmem>>, vector<1x16xi32>,
      %shift_right_arithmetic3A = arith.constant 16 : i32
      %shift_right_arithmetic3A_36 = vector.broadcast %shift_right_arithmetic3A : i32 to vector<16xi32>
      %shift_right_arithmetic3A_37 = arith.shrsi %get3A_28, %shift_right_arithmetic3A_36 : vector<16xi32>
      %swap3A_38 = arith.constant 0 : i32
      %swap3A_39 = arith.index_cast %swap3A_38 : i32 to index
      %swap3A_40 = arith.constant 0 : index
      %swap3A_41 = tpu.vector_load %arg7[%swap3A_39, %swap3A_40] {strides = array<i32>} : memref<2x80xi32, #tpu.memory_space<vmem>>, vector<1x16xi32>,
      %swap3A_42 = vector.shape_cast %swap3A_41 : vector<1x16xi32> to vector<16xi32>
      %swap3A_43 = vector.shape_cast %shift_right_arithmetic3A_37 : vector<16xi32> to vector<1x16xi32>
      tpu.vector_store %arg7[%swap3A_39, %swap3A_40], %swap3A_43 {strides = array<i32>} : memref<2x80xi32, #tpu.memory_space<vmem>>, vector<1x16xi32>,
      %get3A_44 = arith.index_cast %scan3A_25 : i32 to index
      %get3A_45 = arith.constant 16 : index
      %get3A_46 = tpu.vector_load %arg5[%get3A_44, %get3A_45] {strides = array<i32>} : memref<125x80xi32, #tpu.memory_space<vmem>>, vector<1x16xi32>,
      %get3A_47 = vector.shape_cast %get3A_46 : vector<1x16xi32> to vector<16xi32>
      %and3A_48 = arith.constant 65535 : i32
      %and3A_49 = vector.broadcast %and3A_48 : i32 to vector<16xi32>
      %and3A_50 = arith.andi %get3A_47, %and3A_49 : vector<16xi32>
      %swap3A_51 = arith.constant 0 : i32
      %swap3A_52 = arith.index_cast %swap3A_51 : i32 to index
      %swap3A_53 = arith.constant 16 : index
      %swap3A_54 = tpu.vector_load %arg6[%swap3A_52, %swap3A_53] {strides = array<i32>} : memref<2x80xi32, #tpu.memory_space<vmem>>, vector<1x16xi32>,
      %swap3A_55 = vector.shape_cast %swap3A_54 : vector<1x16xi32> to vector<16xi32>
      %swap3A_56 = vector.shape_cast %and3A_50 : vector<16xi32> to vector<1x16xi32>
      tpu.vector_store %arg6[%swap3A_52, %swap3A_53], %swap3A_56 {strides = array<i32>} : memref<2x80xi32, #tpu.memory_space<vmem>>, vector<1x16xi32>,
      %shift_right_arithmetic3A_57 = arith.constant 16 : i32
      %shift_right_arithmetic3A_58 = vector.broadcast %shift_right_arithmetic3A_57 : i32 to vector<16xi32>
      %shift_right_arithmetic3A_59 = arith.shrsi %get3A_47, %shift_right_arithmetic3A_58 : vector<16xi32>
      %swap3A_60 = arith.constant 0 : i32
      %swap3A_61 = arith.index_cast %swap3A_60 : i32 to index
      %swap3A_62 = arith.constant 16 : index
      %swap3A_63 = tpu.vector_load %arg7[%swap3A_61, %swap3A_62] {strides = array<i32>} : memref<2x80xi32, #tpu.memory_space<vmem>>, vector<1x16xi32>,
      %swap3A_64 = vector.shape_cast %swap3A_63 : vector<1x16xi32> to vector<16xi32>
      %swap3A_65 = vector.shape_cast %shift_right_arithmetic3A_59 : vector<16xi32> to vector<1x16xi32>
      tpu.vector_store %arg7[%swap3A_61, %swap3A_62], %swap3A_65 {strides = array<i32>} : memref<2x80xi32, #tpu.memory_space<vmem>>, vector<1x16xi32>,
      %get3A_66 = arith.index_cast %scan3A_25 : i32 to index
      %get3A_67 = arith.constant 32 : index
      %get3A_68 = tpu.vector_load %arg5[%get3A_66, %get3A_67] {strides = array<i32>} : memref<125x80xi32, #tpu.memory_space<vmem>>, vector<1x16xi32>,
      %get3A_69 = vector.shape_cast %get3A_68 : vector<1x16xi32> to vector<16xi32>
      %and3A_70 = arith.constant 65535 : i32
      %and3A_71 = vector.broadcast %and3A_70 : i32 to vector<16xi32>
      %and3A_72 = arith.andi %get3A_69, %and3A_71 : vector<16xi32>
      %swap3A_73 = arith.constant 0 : i32
      %swap3A_74 = arith.index_cast %swap3A_73 : i32 to index
      %swap3A_75 = arith.constant 32 : index
      %swap3A_76 = tpu.vector_load %arg6[%swap3A_74, %swap3A_75] {strides = array<i32>} : memref<2x80xi32, #tpu.memory_space<vmem>>, vector<1x16xi32>,
      %swap3A_77 = vector.shape_cast %swap3A_76 : vector<1x16xi32> to vector<16xi32>
      %swap3A_78 = vector.shape_cast %and3A_72 : vector<16xi32> to vector<1x16xi32>
      tpu.vector_store %arg6[%swap3A_74, %swap3A_75], %swap3A_78 {strides = array<i32>} : memref<2x80xi32, #tpu.memory_space<vmem>>, vector<1x16xi32>,
      %shift_right_arithmetic3A_79 = arith.constant 16 : i32
      %shift_right_arithmetic3A_80 = vector.broadcast %shift_right_arithmetic3A_79 : i32 to vector<16xi32>
      %shift_right_arithmetic3A_81 = arith.shrsi %get3A_69, %shift_right_arithmetic3A_80 : vector<16xi32>
      %swap3A_82 = arith.constant 0 : i32
      %swap3A_83 = arith.index_cast %swap3A_82 : i32 to index
      %swap3A_84 = arith.constant 32 : index
      %swap3A_85 = tpu.vector_load %arg7[%swap3A_83, %swap3A_84] {strides = array<i32>} : memref<2x80xi32, #tpu.memory_space<vmem>>, vector<1x16xi32>,
      %swap3A_86 = vector.shape_cast %swap3A_85 : vector<1x16xi32> to vector<16xi32>
      %swap3A_87 = vector.shape_cast %shift_right_arithmetic3A_81 : vector<16xi32> to vector<1x16xi32>
      tpu.vector_store %arg7[%swap3A_83, %swap3A_84], %swap3A_87 {strides = array<i32>} : memref<2x80xi32, #tpu.memory_space<vmem>>, vector<1x16xi32>,
      %get3A_88 = arith.index_cast %scan3A_25 : i32 to index
      %get3A_89 = arith.constant 48 : index
      %get3A_90 = tpu.vector_load %arg5[%get3A_88, %get3A_89] {strides = array<i32>} : memref<125x80xi32, #tpu.memory_space<vmem>>, vector<1x16xi32>,
      %get3A_91 = vector.shape_cast %get3A_90 : vector<1x16xi32> to vector<16xi32>
      %and3A_92 = arith.constant 65535 : i32
      %and3A_93 = vector.broadcast %and3A_92 : i32 to vector<16xi32>
      %and3A_94 = arith.andi %get3A_91, %and3A_93 : vector<16xi32>
      %swap3A_95 = arith.constant 0 : i32
      %swap3A_96 = arith.index_cast %swap3A_95 : i32 to index
      %swap3A_97 = arith.constant 48 : index
      %swap3A_98 = tpu.vector_load %arg6[%swap3A_96, %swap3A_97] {strides = array<i32>} : memref<2x80xi32, #tpu.memory_space<vmem>>, vector<1x16xi32>,
      %swap3A_99 = vector.shape_cast %swap3A_98 : vector<1x16xi32> to vector<16xi32>
      %swap3A_100 = vector.shape_cast %and3A_94 : vector<16xi32> to vector<1x16xi32>
      tpu.vector_store %arg6[%swap3A_96, %swap3A_97], %swap3A_100 {strides = array<i32>} : memref<2x80xi32, #tpu.memory_space<vmem>>, vector<1x16xi32>,
      %shift_right_arithmetic3A_101 = arith.constant 16 : i32
      %shift_right_arithmetic3A_102 = vector.broadcast %shift_right_arithmetic3A_101 : i32 to vector<16xi32>
      %shift_right_arithmetic3A_103 = arith.shrsi %get3A_91, %shift_right_arithmetic3A_102 : vector<16xi32>
      %swap3A_104 = arith.constant 0 : i32
      %swap3A_105 = arith.index_cast %swap3A_104 : i32 to index
      %swap3A_106 = arith.constant 48 : index
      %swap3A_107 = tpu.vector_load %arg7[%swap3A_105, %swap3A_106] {strides = array<i32>} : memref<2x80xi32, #tpu.memory_space<vmem>>, vector<1x16xi32>,
      %swap3A_108 = vector.shape_cast %swap3A_107 : vector<1x16xi32> to vector<16xi32>
      %swap3A_109 = vector.shape_cast %shift_right_arithmetic3A_103 : vector<16xi32> to vector<1x16xi32>
      tpu.vector_store %arg7[%swap3A_105, %swap3A_106], %swap3A_109 {strides = array<i32>} : memref<2x80xi32, #tpu.memory_space<vmem>>, vector<1x16xi32>,
      %get3A_110 = arith.index_cast %scan3A_25 : i32 to index
      %get3A_111 = arith.constant 64 : index
      %get3A_112 = tpu.vector_load %arg5[%get3A_110, %get3A_111] {strides = array<i32>} : memref<125x80xi32, #tpu.memory_space<vmem>>, vector<1x16xi32>,
      %get3A_113 = vector.shape_cast %get3A_112 : vector<1x16xi32> to vector<16xi32>
      %and3A_114 = arith.constant 65535 : i32
      %and3A_115 = vector.broadcast %and3A_114 : i32 to vector<16xi32>
      %and3A_116 = arith.andi %get3A_113, %and3A_115 : vector<16xi32>
      %swap3A_117 = arith.constant 0 : i32
      %swap3A_118 = arith.index_cast %swap3A_117 : i32 to index
      %swap3A_119 = arith.constant 64 : index
      %swap3A_120 = tpu.vector_load %arg6[%swap3A_118, %swap3A_119] {strides = array<i32>} : memref<2x80xi32, #tpu.memory_space<vmem>>, vector<1x16xi32>,
      %swap3A_121 = vector.shape_cast %swap3A_120 : vector<1x16xi32> to vector<16xi32>
      %swap3A_122 = vector.shape_cast %and3A_116 : vector<16xi32> to vector<1x16xi32>
      tpu.vector_store %arg6[%swap3A_118, %swap3A_119], %swap3A_122 {strides = array<i32>} : memref<2x80xi32, #tpu.memory_space<vmem>>, vector<1x16xi32>,
      %shift_right_arithmetic3A_123 = arith.constant 16 : i32
      %shift_right_arithmetic3A_124 = vector.broadcast %shift_right_arithmetic3A_123 : i32 to vector<16xi32>
      %shift_right_arithmetic3A_125 = arith.shrsi %get3A_113, %shift_right_arithmetic3A_124 : vector<16xi32>
      %swap3A_126 = arith.constant 0 : i32
      %swap3A_127 = arith.index_cast %swap3A_126 : i32 to index
      %swap3A_128 = arith.constant 64 : index
      %swap3A_129 = tpu.vector_load %arg7[%swap3A_127, %swap3A_128] {strides = array<i32>} : memref<2x80xi32, #tpu.memory_space<vmem>>, vector<1x16xi32>,
      %swap3A_130 = vector.shape_cast %swap3A_129 : vector<1x16xi32> to vector<16xi32>
      %swap3A_131 = vector.shape_cast %shift_right_arithmetic3A_125 : vector<16xi32> to vector<1x16xi32>
      tpu.vector_store %arg7[%swap3A_127, %swap3A_128], %swap3A_131 {strides = array<i32>} : memref<2x80xi32, #tpu.memory_space<vmem>>, vector<1x16xi32>,
      %dma_start3A = arith.constant 0 : i32
      %dma_start3A_132 = arith.constant 0 : i32
      %dma_start3A_133 = tpu.memref_slice %arg6[%dma_start3A, %dma_start3A_132] : memref<2x80xi32, #tpu.memory_space<vmem>> -> memref<1x80xi32, #tpu.memory_space<vmem>>
      %dma_start3A_134 = tpu.memref_squeeze %dma_start3A_133 : memref<1x80xi32, #tpu.memory_space<vmem>> -> memref<80xi32, #tpu.memory_space<vmem>>
      %dma_start3A_135 = arith.constant 0 : i32
      %dma_start3A_136 = arith.constant 0 : i32
      %dma_start3A_137 = tpu.memref_slice %arg2[%dma_start3A_135, %dma_start3A_136] : memref<10240x128xf32, #tpu.memory_space<hbm>> -> memref<10240x128xf32, #tpu.memory_space<hbm>>
      tpu.enqueue_indirect_dma source(%dma_start3A_137 : memref<10240x128xf32, #tpu.memory_space<hbm>>) target(%arg8 : memref<80x128xf32, #tpu.memory_space<vmem>>) offsets(%dma_start3A_134 : memref<80xi32, #tpu.memory_space<vmem>>) semaphore(%arg11 : memref<!tpu.dma_semaphore, #tpu.memory_space<semaphore_mem>>)
      %dma_wait3A = arith.constant 0 : i32
      %dma_wait3A_138 = arith.constant 0 : i32
      %dma_wait3A_139 = tpu.memref_slice %arg6[%dma_wait3A, %dma_wait3A_138] : memref<2x80xi32, #tpu.memory_space<vmem>> -> memref<1x80xi32, #tpu.memory_space<vmem>>
      %dma_wait3A_140 = tpu.memref_squeeze %dma_wait3A_139 : memref<1x80xi32, #tpu.memory_space<vmem>> -> memref<80xi32, #tpu.memory_space<vmem>>
      %dma_wait3A_141 = arith.constant 0 : i32
      %dma_wait3A_142 = arith.constant 0 : i32
      %dma_wait3A_143 = tpu.memref_slice %arg2[%dma_wait3A_141, %dma_wait3A_142] : memref<10240x128xf32, #tpu.memory_space<hbm>> -> memref<10240x128xf32, #tpu.memory_space<hbm>>
      tpu.wait_indirect_dma semaphore(%arg11 : memref<!tpu.dma_semaphore, #tpu.memory_space<semaphore_mem>>) src(%dma_wait3A_143 : memref<10240x128xf32, #tpu.memory_space<hbm>>) dst(%arg8 : memref<80x128xf32, #tpu.memory_space<vmem>>)
      %run_scoped3A = arith.constant 0 : i32
      "tpu.region"() ({
        %run_scoped3A_144 = tpu.sem_alloc : memref<!tpu.dma_semaphore, #tpu.memory_space<semaphore_mem>>
        %dma_start3A_145 = arith.constant 0 : i32
        %dma_start3A_146 = tpu.memref_slice %arg7[%run_scoped3A, %dma_start3A_145] : memref<2x80xi32, #tpu.memory_space<vmem>> -> memref<1x80xi32, #tpu.memory_space<vmem>>
        %dma_start3A_147 = tpu.memref_squeeze %dma_start3A_146 : memref<1x80xi32, #tpu.memory_space<vmem>> -> memref<80xi32, #tpu.memory_space<vmem>>
        %dma_start3A_148 = arith.constant 0 : i32
        %dma_start3A_149 = arith.constant 0 : i32
        %dma_start3A_150 = tpu.memref_slice %arg10[%dma_start3A_148, %dma_start3A_149] : memref<10240x128xf32, #tpu.memory_space<vmem_shared>> -> memref<10240x128xf32, #tpu.memory_space<vmem_shared>>
        tpu.enqueue_indirect_dma source(%arg8 : memref<80x128xf32, #tpu.memory_space<vmem>>) target(%dma_start3A_150 : memref<10240x128xf32, #tpu.memory_space<vmem_shared>>) offsets(%dma_start3A_147 : memref<80xi32, #tpu.memory_space<vmem>>) semaphore(%run_scoped3A_144 : memref<!tpu.dma_semaphore, #tpu.memory_space<semaphore_mem>>) {add = true}
        %dma_wait3A_151 = arith.constant 0 : i32
        %dma_wait3A_152 = tpu.memref_slice %arg7[%run_scoped3A, %dma_wait3A_151] : memref<2x80xi32, #tpu.memory_space<vmem>> -> memref<1x80xi32, #tpu.memory_space<vmem>>
        %dma_wait3A_153 = tpu.memref_squeeze %dma_wait3A_152 : memref<1x80xi32, #tpu.memory_space<vmem>> -> memref<80xi32, #tpu.memory_space<vmem>>
        %dma_wait3A_154 = arith.constant 0 : i32
        %dma_wait3A_155 = arith.constant 0 : i32
        %dma_wait3A_156 = tpu.memref_slice %arg10[%dma_wait3A_154, %dma_wait3A_155] : memref<10240x128xf32, #tpu.memory_space<vmem_shared>> -> memref<10240x128xf32, #tpu.memory_space<vmem_shared>>
        tpu.wait_indirect_dma semaphore(%run_scoped3A_144 : memref<!tpu.dma_semaphore, #tpu.memory_space<semaphore_mem>>) src(%arg8 : memref<80x128xf32, #tpu.memory_space<vmem>>) dst(%dma_wait3A_156 : memref<10240x128xf32, #tpu.memory_space<vmem_shared>>)
        tpu.yield
      }) : () -> ()
    }
    %scan3A_17 = arith.constant 125 : i32
    %barrier3A_18 = arith.constant 0 : index
    tpu.barrier barrier_id(%barrier3A_18)
    %scan3A_19 = arith.constant 0 : i32
    %scan3A_20 = arith.constant 0 : i32
    %scan3A_21 = arith.constant 8 : i32
    %scan3A_22 = arith.addi %scan3A_20, %scan3A_21 : i32
    %scan3A_23 = arith.constant 1 : i32
    scf.for %scan3A_25 = %scan3A_20 to %scan3A_22 step %scan3A_23  : i32 {
      %mul3A_26 = arith.constant 640 : i32
      %mul3A_27 = arith.muli %arg1, %mul3A_26 : i32
      %mul3A_28 = arith.constant 80 : i32
      %mul3A_29 = arith.muli %scan3A_25, %mul3A_28 : i32
      %add3A_30 = arith.addi %mul3A_27, %mul3A_29 : i32
      "tpu.region"() ({
        %run_scoped3A = tpu.sem_alloc : memref<!tpu.dma_semaphore, #tpu.memory_space<semaphore_mem>>
        %dma_start3A = arith.constant 0 : i32
        %dma_start3A_36 = tpu.memref_slice %arg10[%add3A_30, %dma_start3A] : memref<10240x128xf32, #tpu.memory_space<vmem_shared>> -> memref<80x128xf32, #tpu.memory_space<vmem_shared>>
        %dma_start3A_37 = arith.constant 0 : i32
        %dma_start3A_38 = tpu.memref_slice %arg10[%add3A_30, %dma_start3A_37] : memref<10240x128xf32, #tpu.memory_space<vmem_shared>> -> memref<80x128xf32, #tpu.memory_space<vmem_shared>>
        tpu.enqueue_dma source(%dma_start3A_38 : memref<80x128xf32, #tpu.memory_space<vmem_shared>>) target(%arg9 : memref<80x128xf32, #tpu.memory_space<vmem>>) target_semaphore(%run_scoped3A : memref<!tpu.dma_semaphore, #tpu.memory_space<semaphore_mem>>)
        %dma_wait3A = arith.constant 0 : i32
        %dma_wait3A_39 = tpu.memref_slice %arg10[%add3A_30, %dma_wait3A] : memref<10240x128xf32, #tpu.memory_space<vmem_shared>> -> memref<80x128xf32, #tpu.memory_space<vmem_shared>>
        %dma_wait3A_40 = arith.constant 0 : i32
        %dma_wait3A_41 = tpu.memref_slice %arg10[%add3A_30, %dma_wait3A_40] : memref<10240x128xf32, #tpu.memory_space<vmem_shared>> -> memref<80x128xf32, #tpu.memory_space<vmem_shared>>
        tpu.wait_dma2 semaphore(%run_scoped3A : memref<!tpu.dma_semaphore, #tpu.memory_space<semaphore_mem>>) src(%dma_wait3A_41 : memref<80x128xf32, #tpu.memory_space<vmem_shared>>) dst(%arg9 : memref<80x128xf32, #tpu.memory_space<vmem>>)
        tpu.yield
      }) : () -> ()
      %mul3A_31 = arith.constant 640 : i32
      %mul3A_32 = arith.muli %arg1, %mul3A_31 : i32
      %mul3A_33 = arith.constant 80 : i32
      %mul3A_34 = arith.muli %scan3A_25, %mul3A_33 : i32
      %add3A_35 = arith.addi %mul3A_32, %mul3A_34 : i32
      "tpu.region"() ({
        %run_scoped3A = tpu.sem_alloc : memref<!tpu.dma_semaphore, #tpu.memory_space<semaphore_mem>>
        %dma_start3A = arith.constant 0 : i32
        %dma_start3A_36 = tpu.memref_slice %arg4[%arg0, %add3A_35, %dma_start3A] : memref<2x10240x128xf32, #tpu.memory_space<hbm>> -> memref<1x80x128xf32, #tpu.memory_space<hbm>>
        %dma_start3A_37 = tpu.memref_squeeze %dma_start3A_36 : memref<1x80x128xf32, #tpu.memory_space<hbm>> -> memref<80x128xf32, #tpu.memory_space<hbm>>
        %dma_start3A_38 = arith.constant 0 : i32
        %dma_start3A_39 = tpu.memref_slice %arg4[%arg0, %add3A_35, %dma_start3A_38] : memref<2x10240x128xf32, #tpu.memory_space<hbm>> -> memref<1x80x128xf32, #tpu.memory_space<hbm>>
        %dma_start3A_40 = tpu.memref_squeeze %dma_start3A_39 : memref<1x80x128xf32, #tpu.memory_space<hbm>> -> memref<80x128xf32, #tpu.memory_space<hbm>>
        tpu.enqueue_dma source(%arg9 : memref<80x128xf32, #tpu.memory_space<vmem>>) target(%dma_start3A_40 : memref<80x128xf32, #tpu.memory_space<hbm>>) target_semaphore(%run_scoped3A : memref<!tpu.dma_semaphore, #tpu.memory_space<semaphore_mem>>)
        %dma_wait3A = arith.constant 0 : i32
        %dma_wait3A_41 = tpu.memref_slice %arg4[%arg0, %add3A_35, %dma_wait3A] : memref<2x10240x128xf32, #tpu.memory_space<hbm>> -> memref<1x80x128xf32, #tpu.memory_space<hbm>>
        %dma_wait3A_42 = tpu.memref_squeeze %dma_wait3A_41 : memref<1x80x128xf32, #tpu.memory_space<hbm>> -> memref<80x128xf32, #tpu.memory_space<hbm>>
        %dma_wait3A_43 = arith.constant 0 : i32
        %dma_wait3A_44 = tpu.memref_slice %arg4[%arg0, %add3A_35, %dma_wait3A_43] : memref<2x10240x128xf32, #tpu.memory_space<hbm>> -> memref<1x80x128xf32, #tpu.memory_space<hbm>>
        %dma_wait3A_45 = tpu.memref_squeeze %dma_wait3A_44 : memref<1x80x128xf32, #tpu.memory_space<hbm>> -> memref<80x128xf32, #tpu.memory_space<hbm>>
        tpu.wait_dma2 semaphore(%run_scoped3A : memref<!tpu.dma_semaphore, #tpu.memory_space<semaphore_mem>>) src(%arg9 : memref<80x128xf32, #tpu.memory_space<vmem>>) dst(%dma_wait3A_45 : memref<80x128xf32, #tpu.memory_space<hbm>>)
        tpu.yield
      }) : () -> ()
    }
    %scan3A_24 = arith.constant 8 : i32
    return
  }
}

#map = affine_map<(d0, d1) -> (0, 0)>
#map1 = affine_map<(d0, d1) -> (0, 0, 0)>
module attributes {stable_mosaic.version = 14 : i64} {
  func.func @_scatter_body(%arg0: i32, %arg1: i32, %arg2: memref<10240x128xf32, #tpu.memory_space<hbm>>, %arg3: memref<32x125x80xi32, #tpu.memory_space<hbm>>, %arg4: memref<2x10240x128xf32, #tpu.memory_space<hbm>>, %arg5: memref<125x80xi32, #tpu.memory_space<vmem>>, %arg6: memref<2x80xi32, #tpu.memory_space<vmem>>, %arg7: memref<2x80xi32, #tpu.memory_space<vmem>>, %arg8: memref<80x128xf32, #tpu.memory_space<vmem>>, %arg9: memref<80x128xf32, #tpu.memory_space<vmem>>, %arg10: memref<10240x128xf32, #tpu.memory_space<vmem_shared>>, %arg11: memref<!tpu.dma_semaphore, #tpu.memory_space<semaphore_mem>>, %arg12: memref<!tpu.dma_semaphore, #tpu.memory_space<semaphore_mem>>) attributes {dimension_semantics = [#tpu.dimension_semantics<core_parallel>, #tpu.dimension_semantics<subcore_parallel>], iteration_bounds = array<i64: 2, 16>, scalar_prefetch = 0 : i64, scratch_operands = 8 : i64, tpu.core_type = #tpu.core_type<sc_vector_subcore>, window_params = [{transform_indices = #map}, {transform_indices = #map1}, {transform_indices = #map1}]} {
    %mul3A = arith.constant 2 : i32
    %mul3A_0 = arith.muli %arg1, %mul3A : i32
    %add3A = arith.addi %mul3A_0, %arg0 : i32
    "tpu.region"() ({
      %run_scoped3A = tpu.sem_alloc : memref<!tpu.dma_semaphore, #tpu.memory_space<semaphore_mem>>
      %dma_start3A = arith.constant 0 : i32
      %dma_start3A_25 = arith.constant 0 : i32
      %dma_start3A_26 = tpu.memref_slice %arg3[%add3A, %dma_start3A, %dma_start3A_25] : memref<32x125x80xi32, #tpu.memory_space<hbm>> -> memref<1x125x80xi32, #tpu.memory_space<hbm>>
      %dma_start3A_27 = tpu.memref_squeeze %dma_start3A_26 : memref<1x125x80xi32, #tpu.memory_space<hbm>> -> memref<125x80xi32, #tpu.memory_space<hbm>>
      %dma_start3A_28 = arith.constant 0 : i32
      %dma_start3A_29 = arith.constant 0 : i32
      %dma_start3A_30 = tpu.memref_slice %arg3[%add3A, %dma_start3A_28, %dma_start3A_29] : memref<32x125x80xi32, #tpu.memory_space<hbm>> -> memref<1x125x80xi32, #tpu.memory_space<hbm>>
      %dma_start3A_31 = tpu.memref_squeeze %dma_start3A_30 : memref<1x125x80xi32, #tpu.memory_space<hbm>> -> memref<125x80xi32, #tpu.memory_space<hbm>>
      tpu.enqueue_dma source(%dma_start3A_31 : memref<125x80xi32, #tpu.memory_space<hbm>>) target(%arg5 : memref<125x80xi32, #tpu.memory_space<vmem>>) target_semaphore(%run_scoped3A : memref<!tpu.dma_semaphore, #tpu.memory_space<semaphore_mem>>)
      %dma_wait3A = arith.constant 0 : i32
      %dma_wait3A_32 = arith.constant 0 : i32
      %dma_wait3A_33 = tpu.memref_slice %arg3[%add3A, %dma_wait3A, %dma_wait3A_32] : memref<32x125x80xi32, #tpu.memory_space<hbm>> -> memref<1x125x80xi32, #tpu.memory_space<hbm>>
      %dma_wait3A_34 = tpu.memref_squeeze %dma_wait3A_33 : memref<1x125x80xi32, #tpu.memory_space<hbm>> -> memref<125x80xi32, #tpu.memory_space<hbm>>
      %dma_wait3A_35 = arith.constant 0 : i32
      %dma_wait3A_36 = arith.constant 0 : i32
      %dma_wait3A_37 = tpu.memref_slice %arg3[%add3A, %dma_wait3A_35, %dma_wait3A_36] : memref<32x125x80xi32, #tpu.memory_space<hbm>> -> memref<1x125x80xi32, #tpu.memory_space<hbm>>
      %dma_wait3A_38 = tpu.memref_squeeze %dma_wait3A_37 : memref<1x125x80xi32, #tpu.memory_space<hbm>> -> memref<125x80xi32, #tpu.memory_space<hbm>>
      tpu.wait_dma2 semaphore(%run_scoped3A : memref<!tpu.dma_semaphore, #tpu.memory_space<semaphore_mem>>) src(%dma_wait3A_38 : memref<125x80xi32, #tpu.memory_space<hbm>>) dst(%arg5 : memref<125x80xi32, #tpu.memory_space<vmem>>)
      tpu.yield
    }) : () -> ()
    %scan3A = arith.constant 0 : i32
    %scan3A_1 = arith.constant 0 : i32
    %scan3A_2 = arith.constant 80 : i32
    %scan3A_3 = arith.addi %scan3A_1, %scan3A_2 : i32
    %scan3A_4 = arith.constant 1 : i32
    scf.for %scan3A_25 = %scan3A_1 to %scan3A_3 step %scan3A_4  : i32 {
      %broadcast_in_dim3A = arith.constant 0.000000e+00 : f32
      %broadcast_in_dim3A_26 = vector.broadcast %broadcast_in_dim3A : f32 to vector<16xf32>
      %swap3A = arith.index_cast %scan3A_25 : i32 to index
      %swap3A_27 = arith.constant 0 : index
      %swap3A_28 = tpu.vector_load %arg8[%swap3A, %swap3A_27] {strides = array<i32>} : memref<80x128xf32, #tpu.memory_space<vmem>>, vector<1x16xf32>,
      %swap3A_29 = vector.shape_cast %swap3A_28 : vector<1x16xf32> to vector<16xf32>
      %swap3A_30 = vector.shape_cast %broadcast_in_dim3A_26 : vector<16xf32> to vector<1x16xf32>
      tpu.vector_store %arg8[%swap3A, %swap3A_27], %swap3A_30 {strides = array<i32>} : memref<80x128xf32, #tpu.memory_space<vmem>>, vector<1x16xf32>,
      %broadcast_in_dim3A_31 = arith.constant 0.000000e+00 : f32
      %broadcast_in_dim3A_32 = vector.broadcast %broadcast_in_dim3A_31 : f32 to vector<16xf32>
      %swap3A_33 = arith.index_cast %scan3A_25 : i32 to index
      %swap3A_34 = arith.constant 16 : index
      %swap3A_35 = tpu.vector_load %arg8[%swap3A_33, %swap3A_34] {strides = array<i32>} : memref<80x128xf32, #tpu.memory_space<vmem>>, vector<1x16xf32>,
      %swap3A_36 = vector.shape_cast %swap3A_35 : vector<1x16xf32> to vector<16xf32>
      %swap3A_37 = vector.shape_cast %broadcast_in_dim3A_32 : vector<16xf32> to vector<1x16xf32>
      tpu.vector_store %arg8[%swap3A_33, %swap3A_34], %swap3A_37 {strides = array<i32>} : memref<80x128xf32, #tpu.memory_space<vmem>>, vector<1x16xf32>,
      %broadcast_in_dim3A_38 = arith.constant 0.000000e+00 : f32
      %broadcast_in_dim3A_39 = vector.broadcast %broadcast_in_dim3A_38 : f32 to vector<16xf32>
      %swap3A_40 = arith.index_cast %scan3A_25 : i32 to index
      %swap3A_41 = arith.constant 32 : index
      %swap3A_42 = tpu.vector_load %arg8[%swap3A_40, %swap3A_41] {strides = array<i32>} : memref<80x128xf32, #tpu.memory_space<vmem>>, vector<1x16xf32>,
      %swap3A_43 = vector.shape_cast %swap3A_42 : vector<1x16xf32> to vector<16xf32>
      %swap3A_44 = vector.shape_cast %broadcast_in_dim3A_39 : vector<16xf32> to vector<1x16xf32>
      tpu.vector_store %arg8[%swap3A_40, %swap3A_41], %swap3A_44 {strides = array<i32>} : memref<80x128xf32, #tpu.memory_space<vmem>>, vector<1x16xf32>,
      %broadcast_in_dim3A_45 = arith.constant 0.000000e+00 : f32
      %broadcast_in_dim3A_46 = vector.broadcast %broadcast_in_dim3A_45 : f32 to vector<16xf32>
      %swap3A_47 = arith.index_cast %scan3A_25 : i32 to index
      %swap3A_48 = arith.constant 48 : index
      %swap3A_49 = tpu.vector_load %arg8[%swap3A_47, %swap3A_48] {strides = array<i32>} : memref<80x128xf32, #tpu.memory_space<vmem>>, vector<1x16xf32>,
      %swap3A_50 = vector.shape_cast %swap3A_49 : vector<1x16xf32> to vector<16xf32>
      %swap3A_51 = vector.shape_cast %broadcast_in_dim3A_46 : vector<16xf32> to vector<1x16xf32>
      tpu.vector_store %arg8[%swap3A_47, %swap3A_48], %swap3A_51 {strides = array<i32>} : memref<80x128xf32, #tpu.memory_space<vmem>>, vector<1x16xf32>,
      %broadcast_in_dim3A_52 = arith.constant 0.000000e+00 : f32
      %broadcast_in_dim3A_53 = vector.broadcast %broadcast_in_dim3A_52 : f32 to vector<16xf32>
      %swap3A_54 = arith.index_cast %scan3A_25 : i32 to index
      %swap3A_55 = arith.constant 64 : index
      %swap3A_56 = tpu.vector_load %arg8[%swap3A_54, %swap3A_55] {strides = array<i32>} : memref<80x128xf32, #tpu.memory_space<vmem>>, vector<1x16xf32>,
      %swap3A_57 = vector.shape_cast %swap3A_56 : vector<1x16xf32> to vector<16xf32>
      %swap3A_58 = vector.shape_cast %broadcast_in_dim3A_53 : vector<16xf32> to vector<1x16xf32>
      tpu.vector_store %arg8[%swap3A_54, %swap3A_55], %swap3A_58 {strides = array<i32>} : memref<80x128xf32, #tpu.memory_space<vmem>>, vector<1x16xf32>,
      %broadcast_in_dim3A_59 = arith.constant 0.000000e+00 : f32
      %broadcast_in_dim3A_60 = vector.broadcast %broadcast_in_dim3A_59 : f32 to vector<16xf32>
      %swap3A_61 = arith.index_cast %scan3A_25 : i32 to index
      %swap3A_62 = arith.constant 80 : index
      %swap3A_63 = tpu.vector_load %arg8[%swap3A_61, %swap3A_62] {strides = array<i32>} : memref<80x128xf32, #tpu.memory_space<vmem>>, vector<1x16xf32>,
      %swap3A_64 = vector.shape_cast %swap3A_63 : vector<1x16xf32> to vector<16xf32>
      %swap3A_65 = vector.shape_cast %broadcast_in_dim3A_60 : vector<16xf32> to vector<1x16xf32>
      tpu.vector_store %arg8[%swap3A_61, %swap3A_62], %swap3A_65 {strides = array<i32>} : memref<80x128xf32, #tpu.memory_space<vmem>>, vector<1x16xf32>,
      %broadcast_in_dim3A_66 = arith.constant 0.000000e+00 : f32
      %broadcast_in_dim3A_67 = vector.broadcast %broadcast_in_dim3A_66 : f32 to vector<16xf32>
      %swap3A_68 = arith.index_cast %scan3A_25 : i32 to index
      %swap3A_69 = arith.constant 96 : index
      %swap3A_70 = tpu.vector_load %arg8[%swap3A_68, %swap3A_69] {strides = array<i32>} : memref<80x128xf32, #tpu.memory_space<vmem>>, vector<1x16xf32>,
      %swap3A_71 = vector.shape_cast %swap3A_70 : vector<1x16xf32> to vector<16xf32>
      %swap3A_72 = vector.shape_cast %broadcast_in_dim3A_67 : vector<16xf32> to vector<1x16xf32>
      tpu.vector_store %arg8[%swap3A_68, %swap3A_69], %swap3A_72 {strides = array<i32>} : memref<80x128xf32, #tpu.memory_space<vmem>>, vector<1x16xf32>,
      %broadcast_in_dim3A_73 = arith.constant 0.000000e+00 : f32
      %broadcast_in_dim3A_74 = vector.broadcast %broadcast_in_dim3A_73 : f32 to vector<16xf32>
      %swap3A_75 = arith.index_cast %scan3A_25 : i32 to index
      %swap3A_76 = arith.constant 112 : index
      %swap3A_77 = tpu.vector_load %arg8[%swap3A_75, %swap3A_76] {strides = array<i32>} : memref<80x128xf32, #tpu.memory_space<vmem>>, vector<1x16xf32>,
      %swap3A_78 = vector.shape_cast %swap3A_77 : vector<1x16xf32> to vector<16xf32>
      %swap3A_79 = vector.shape_cast %broadcast_in_dim3A_74 : vector<16xf32> to vector<1x16xf32>
      tpu.vector_store %arg8[%swap3A_75, %swap3A_76], %swap3A_79 {strides = array<i32>} : memref<80x128xf32, #tpu.memory_space<vmem>>, vector<1x16xf32>,
    }
    %scan3A_5 = arith.constant 80 : i32
    %scan3A_6 = arith.constant 0 : i32
    %scan3A_7 = arith.constant 0 : i32
    %scan3A_8 = arith.constant 8 : i32
    %scan3A_9 = arith.addi %scan3A_7, %scan3A_8 : i32
    %scan3A_10 = arith.constant 1 : i32
    scf.for %scan3A_25 = %scan3A_7 to %scan3A_9 step %scan3A_10  : i32 {
      %mul3A_26 = arith.constant 640 : i32
      %mul3A_27 = arith.muli %arg1, %mul3A_26 : i32
      %mul3A_28 = arith.constant 80 : i32
      %mul3A_29 = arith.muli %scan3A_25, %mul3A_28 : i32
      %add3A_30 = arith.addi %mul3A_27, %mul3A_29 : i32
      "tpu.region"() ({
        %run_scoped3A = tpu.sem_alloc : memref<!tpu.dma_semaphore, #tpu.memory_space<semaphore_mem>>
        %dma_start3A = arith.constant 0 : i32
        %dma_start3A_31 = tpu.memref_slice %arg10[%add3A_30, %dma_start3A] : memref<10240x128xf32, #tpu.memory_space<vmem_shared>> -> memref<80x128xf32, #tpu.memory_space<vmem_shared>>
        %dma_start3A_32 = arith.constant 0 : i32
        %dma_start3A_33 = tpu.memref_slice %arg10[%add3A_30, %dma_start3A_32] : memref<10240x128xf32, #tpu.memory_space<vmem_shared>> -> memref<80x128xf32, #tpu.memory_space<vmem_shared>>
        tpu.enqueue_dma source(%arg8 : memref<80x128xf32, #tpu.memory_space<vmem>>) target(%dma_start3A_33 : memref<80x128xf32, #tpu.memory_space<vmem_shared>>) target_semaphore(%run_scoped3A : memref<!tpu.dma_semaphore, #tpu.memory_space<semaphore_mem>>)
        %dma_wait3A = arith.constant 0 : i32
        %dma_wait3A_34 = tpu.memref_slice %arg10[%add3A_30, %dma_wait3A] : memref<10240x128xf32, #tpu.memory_space<vmem_shared>> -> memref<80x128xf32, #tpu.memory_space<vmem_shared>>
        %dma_wait3A_35 = arith.constant 0 : i32
        %dma_wait3A_36 = tpu.memref_slice %arg10[%add3A_30, %dma_wait3A_35] : memref<10240x128xf32, #tpu.memory_space<vmem_shared>> -> memref<80x128xf32, #tpu.memory_space<vmem_shared>>
        tpu.wait_dma2 semaphore(%run_scoped3A : memref<!tpu.dma_semaphore, #tpu.memory_space<semaphore_mem>>) src(%arg8 : memref<80x128xf32, #tpu.memory_space<vmem>>) dst(%dma_wait3A_36 : memref<80x128xf32, #tpu.memory_space<vmem_shared>>)
        tpu.yield
      }) : () -> ()
    }
    %scan3A_11 = arith.constant 8 : i32
    %barrier3A = arith.constant 0 : index
    tpu.barrier barrier_id(%barrier3A)
    %scan3A_12 = arith.constant 0 : i32
    %scan3A_13 = arith.constant 0 : i32
    %scan3A_14 = arith.constant 125 : i32
    %scan3A_15 = arith.addi %scan3A_13, %scan3A_14 : i32
    %scan3A_16 = arith.constant 1 : i32
    scf.for %scan3A_25 = %scan3A_13 to %scan3A_15 step %scan3A_16  : i32 {
      %get3A = arith.index_cast %scan3A_25 : i32 to index
      %get3A_26 = arith.constant 0 : index
      %get3A_27 = tpu.vector_load %arg5[%get3A, %get3A_26] {strides = array<i32>} : memref<125x80xi32, #tpu.memory_space<vmem>>, vector<1x16xi32>,
      %get3A_28 = vector.shape_cast %get3A_27 : vector<1x16xi32> to vector<16xi32>
      %and3A = arith.constant 65535 : i32
      %and3A_29 = vector.broadcast %and3A : i32 to vector<16xi32>
      %and3A_30 = arith.andi %get3A_28, %and3A_29 : vector<16xi32>
      %swap3A = arith.constant 0 : i32
      %swap3A_31 = arith.index_cast %swap3A : i32 to index
      %swap3A_32 = arith.constant 0 : index
      %swap3A_33 = tpu.vector_load %arg6[%swap3A_31, %swap3A_32] {strides = array<i32>} : memref<2x80xi32, #tpu.memory_space<vmem>>, vector<1x16xi32>,
      %swap3A_34 = vector.shape_cast %swap3A_33 : vector<1x16xi32> to vector<16xi32>
      %swap3A_35 = vector.shape_cast %and3A_30 : vector<16xi32> to vector<1x16xi32>
      tpu.vector_store %arg6[%swap3A_31, %swap3A_32], %swap3A_35 {strides = array<i32>} : memref<2x80xi32, #tpu.memory_space<vmem>>, vector<1x16xi32>,
      %shift_right_arithmetic3A = arith.constant 16 : i32
      %shift_right_arithmetic3A_36 = vector.broadcast %shift_right_arithmetic3A : i32 to vector<16xi32>
      %shift_right_arithmetic3A_37 = arith.shrsi %get3A_28, %shift_right_arithmetic3A_36 : vector<16xi32>
      %swap3A_38 = arith.constant 0 : i32
      %swap3A_39 = arith.index_cast %swap3A_38 : i32 to index
      %swap3A_40 = arith.constant 0 : index
      %swap3A_41 = tpu.vector_load %arg7[%swap3A_39, %swap3A_40] {strides = array<i32>} : memref<2x80xi32, #tpu.memory_space<vmem>>, vector<1x16xi32>,
      %swap3A_42 = vector.shape_cast %swap3A_41 : vector<1x16xi32> to vector<16xi32>
      %swap3A_43 = vector.shape_cast %shift_right_arithmetic3A_37 : vector<16xi32> to vector<1x16xi32>
      tpu.vector_store %arg7[%swap3A_39, %swap3A_40], %swap3A_43 {strides = array<i32>} : memref<2x80xi32, #tpu.memory_space<vmem>>, vector<1x16xi32>,
      %get3A_44 = arith.index_cast %scan3A_25 : i32 to index
      %get3A_45 = arith.constant 16 : index
      %get3A_46 = tpu.vector_load %arg5[%get3A_44, %get3A_45] {strides = array<i32>} : memref<125x80xi32, #tpu.memory_space<vmem>>, vector<1x16xi32>,
      %get3A_47 = vector.shape_cast %get3A_46 : vector<1x16xi32> to vector<16xi32>
      %and3A_48 = arith.constant 65535 : i32
      %and3A_49 = vector.broadcast %and3A_48 : i32 to vector<16xi32>
      %and3A_50 = arith.andi %get3A_47, %and3A_49 : vector<16xi32>
      %swap3A_51 = arith.constant 0 : i32
      %swap3A_52 = arith.index_cast %swap3A_51 : i32 to index
      %swap3A_53 = arith.constant 16 : index
      %swap3A_54 = tpu.vector_load %arg6[%swap3A_52, %swap3A_53] {strides = array<i32>} : memref<2x80xi32, #tpu.memory_space<vmem>>, vector<1x16xi32>,
      %swap3A_55 = vector.shape_cast %swap3A_54 : vector<1x16xi32> to vector<16xi32>
      %swap3A_56 = vector.shape_cast %and3A_50 : vector<16xi32> to vector<1x16xi32>
      tpu.vector_store %arg6[%swap3A_52, %swap3A_53], %swap3A_56 {strides = array<i32>} : memref<2x80xi32, #tpu.memory_space<vmem>>, vector<1x16xi32>,
      %shift_right_arithmetic3A_57 = arith.constant 16 : i32
      %shift_right_arithmetic3A_58 = vector.broadcast %shift_right_arithmetic3A_57 : i32 to vector<16xi32>
      %shift_right_arithmetic3A_59 = arith.shrsi %get3A_47, %shift_right_arithmetic3A_58 : vector<16xi32>
      %swap3A_60 = arith.constant 0 : i32
      %swap3A_61 = arith.index_cast %swap3A_60 : i32 to index
      %swap3A_62 = arith.constant 16 : index
      %swap3A_63 = tpu.vector_load %arg7[%swap3A_61, %swap3A_62] {strides = array<i32>} : memref<2x80xi32, #tpu.memory_space<vmem>>, vector<1x16xi32>,
      %swap3A_64 = vector.shape_cast %swap3A_63 : vector<1x16xi32> to vector<16xi32>
      %swap3A_65 = vector.shape_cast %shift_right_arithmetic3A_59 : vector<16xi32> to vector<1x16xi32>
      tpu.vector_store %arg7[%swap3A_61, %swap3A_62], %swap3A_65 {strides = array<i32>} : memref<2x80xi32, #tpu.memory_space<vmem>>, vector<1x16xi32>,
      %get3A_66 = arith.index_cast %scan3A_25 : i32 to index
      %get3A_67 = arith.constant 32 : index
      %get3A_68 = tpu.vector_load %arg5[%get3A_66, %get3A_67] {strides = array<i32>} : memref<125x80xi32, #tpu.memory_space<vmem>>, vector<1x16xi32>,
      %get3A_69 = vector.shape_cast %get3A_68 : vector<1x16xi32> to vector<16xi32>
      %and3A_70 = arith.constant 65535 : i32
      %and3A_71 = vector.broadcast %and3A_70 : i32 to vector<16xi32>
      %and3A_72 = arith.andi %get3A_69, %and3A_71 : vector<16xi32>
      %swap3A_73 = arith.constant 0 : i32
      %swap3A_74 = arith.index_cast %swap3A_73 : i32 to index
      %swap3A_75 = arith.constant 32 : index
      %swap3A_76 = tpu.vector_load %arg6[%swap3A_74, %swap3A_75] {strides = array<i32>} : memref<2x80xi32, #tpu.memory_space<vmem>>, vector<1x16xi32>,
      %swap3A_77 = vector.shape_cast %swap3A_76 : vector<1x16xi32> to vector<16xi32>
      %swap3A_78 = vector.shape_cast %and3A_72 : vector<16xi32> to vector<1x16xi32>
      tpu.vector_store %arg6[%swap3A_74, %swap3A_75], %swap3A_78 {strides = array<i32>} : memref<2x80xi32, #tpu.memory_space<vmem>>, vector<1x16xi32>,
      %shift_right_arithmetic3A_79 = arith.constant 16 : i32
      %shift_right_arithmetic3A_80 = vector.broadcast %shift_right_arithmetic3A_79 : i32 to vector<16xi32>
      %shift_right_arithmetic3A_81 = arith.shrsi %get3A_69, %shift_right_arithmetic3A_80 : vector<16xi32>
      %swap3A_82 = arith.constant 0 : i32
      %swap3A_83 = arith.index_cast %swap3A_82 : i32 to index
      %swap3A_84 = arith.constant 32 : index
      %swap3A_85 = tpu.vector_load %arg7[%swap3A_83, %swap3A_84] {strides = array<i32>} : memref<2x80xi32, #tpu.memory_space<vmem>>, vector<1x16xi32>,
      %swap3A_86 = vector.shape_cast %swap3A_85 : vector<1x16xi32> to vector<16xi32>
      %swap3A_87 = vector.shape_cast %shift_right_arithmetic3A_81 : vector<16xi32> to vector<1x16xi32>
      tpu.vector_store %arg7[%swap3A_83, %swap3A_84], %swap3A_87 {strides = array<i32>} : memref<2x80xi32, #tpu.memory_space<vmem>>, vector<1x16xi32>,
      %get3A_88 = arith.index_cast %scan3A_25 : i32 to index
      %get3A_89 = arith.constant 48 : index
      %get3A_90 = tpu.vector_load %arg5[%get3A_88, %get3A_89] {strides = array<i32>} : memref<125x80xi32, #tpu.memory_space<vmem>>, vector<1x16xi32>,
      %get3A_91 = vector.shape_cast %get3A_90 : vector<1x16xi32> to vector<16xi32>
      %and3A_92 = arith.constant 65535 : i32
      %and3A_93 = vector.broadcast %and3A_92 : i32 to vector<16xi32>
      %and3A_94 = arith.andi %get3A_91, %and3A_93 : vector<16xi32>
      %swap3A_95 = arith.constant 0 : i32
      %swap3A_96 = arith.index_cast %swap3A_95 : i32 to index
      %swap3A_97 = arith.constant 48 : index
      %swap3A_98 = tpu.vector_load %arg6[%swap3A_96, %swap3A_97] {strides = array<i32>} : memref<2x80xi32, #tpu.memory_space<vmem>>, vector<1x16xi32>,
      %swap3A_99 = vector.shape_cast %swap3A_98 : vector<1x16xi32> to vector<16xi32>
      %swap3A_100 = vector.shape_cast %and3A_94 : vector<16xi32> to vector<1x16xi32>
      tpu.vector_store %arg6[%swap3A_96, %swap3A_97], %swap3A_100 {strides = array<i32>} : memref<2x80xi32, #tpu.memory_space<vmem>>, vector<1x16xi32>,
      %shift_right_arithmetic3A_101 = arith.constant 16 : i32
      %shift_right_arithmetic3A_102 = vector.broadcast %shift_right_arithmetic3A_101 : i32 to vector<16xi32>
      %shift_right_arithmetic3A_103 = arith.shrsi %get3A_91, %shift_right_arithmetic3A_102 : vector<16xi32>
      %swap3A_104 = arith.constant 0 : i32
      %swap3A_105 = arith.index_cast %swap3A_104 : i32 to index
      %swap3A_106 = arith.constant 48 : index
      %swap3A_107 = tpu.vector_load %arg7[%swap3A_105, %swap3A_106] {strides = array<i32>} : memref<2x80xi32, #tpu.memory_space<vmem>>, vector<1x16xi32>,
      %swap3A_108 = vector.shape_cast %swap3A_107 : vector<1x16xi32> to vector<16xi32>
      %swap3A_109 = vector.shape_cast %shift_right_arithmetic3A_103 : vector<16xi32> to vector<1x16xi32>
      tpu.vector_store %arg7[%swap3A_105, %swap3A_106], %swap3A_109 {strides = array<i32>} : memref<2x80xi32, #tpu.memory_space<vmem>>, vector<1x16xi32>,
      %get3A_110 = arith.index_cast %scan3A_25 : i32 to index
      %get3A_111 = arith.constant 64 : index
      %get3A_112 = tpu.vector_load %arg5[%get3A_110, %get3A_111] {strides = array<i32>} : memref<125x80xi32, #tpu.memory_space<vmem>>, vector<1x16xi32>,
      %get3A_113 = vector.shape_cast %get3A_112 : vector<1x16xi32> to vector<16xi32>
      %and3A_114 = arith.constant 65535 : i32
      %and3A_115 = vector.broadcast %and3A_114 : i32 to vector<16xi32>
      %and3A_116 = arith.andi %get3A_113, %and3A_115 : vector<16xi32>
      %swap3A_117 = arith.constant 0 : i32
      %swap3A_118 = arith.index_cast %swap3A_117 : i32 to index
      %swap3A_119 = arith.constant 64 : index
      %swap3A_120 = tpu.vector_load %arg6[%swap3A_118, %swap3A_119] {strides = array<i32>} : memref<2x80xi32, #tpu.memory_space<vmem>>, vector<1x16xi32>,
      %swap3A_121 = vector.shape_cast %swap3A_120 : vector<1x16xi32> to vector<16xi32>
      %swap3A_122 = vector.shape_cast %and3A_116 : vector<16xi32> to vector<1x16xi32>
      tpu.vector_store %arg6[%swap3A_118, %swap3A_119], %swap3A_122 {strides = array<i32>} : memref<2x80xi32, #tpu.memory_space<vmem>>, vector<1x16xi32>,
      %shift_right_arithmetic3A_123 = arith.constant 16 : i32
      %shift_right_arithmetic3A_124 = vector.broadcast %shift_right_arithmetic3A_123 : i32 to vector<16xi32>
      %shift_right_arithmetic3A_125 = arith.shrsi %get3A_113, %shift_right_arithmetic3A_124 : vector<16xi32>
      %swap3A_126 = arith.constant 0 : i32
      %swap3A_127 = arith.index_cast %swap3A_126 : i32 to index
      %swap3A_128 = arith.constant 64 : index
      %swap3A_129 = tpu.vector_load %arg7[%swap3A_127, %swap3A_128] {strides = array<i32>} : memref<2x80xi32, #tpu.memory_space<vmem>>, vector<1x16xi32>,
      %swap3A_130 = vector.shape_cast %swap3A_129 : vector<1x16xi32> to vector<16xi32>
      %swap3A_131 = vector.shape_cast %shift_right_arithmetic3A_125 : vector<16xi32> to vector<1x16xi32>
      tpu.vector_store %arg7[%swap3A_127, %swap3A_128], %swap3A_131 {strides = array<i32>} : memref<2x80xi32, #tpu.memory_space<vmem>>, vector<1x16xi32>,
      %dma_start3A = arith.constant 0 : i32
      %dma_start3A_132 = arith.constant 0 : i32
      %dma_start3A_133 = tpu.memref_slice %arg6[%dma_start3A, %dma_start3A_132] : memref<2x80xi32, #tpu.memory_space<vmem>> -> memref<1x80xi32, #tpu.memory_space<vmem>>
      %dma_start3A_134 = tpu.memref_squeeze %dma_start3A_133 : memref<1x80xi32, #tpu.memory_space<vmem>> -> memref<80xi32, #tpu.memory_space<vmem>>
      %dma_start3A_135 = arith.constant 0 : i32
      %dma_start3A_136 = arith.constant 0 : i32
      %dma_start3A_137 = tpu.memref_slice %arg2[%dma_start3A_135, %dma_start3A_136] : memref<10240x128xf32, #tpu.memory_space<hbm>> -> memref<10240x128xf32, #tpu.memory_space<hbm>>
      tpu.enqueue_indirect_dma source(%dma_start3A_137 : memref<10240x128xf32, #tpu.memory_space<hbm>>) target(%arg8 : memref<80x128xf32, #tpu.memory_space<vmem>>) offsets(%dma_start3A_134 : memref<80xi32, #tpu.memory_space<vmem>>) semaphore(%arg11 : memref<!tpu.dma_semaphore, #tpu.memory_space<semaphore_mem>>)
      %dma_wait3A = arith.constant 0 : i32
      %dma_wait3A_138 = arith.constant 0 : i32
      %dma_wait3A_139 = tpu.memref_slice %arg6[%dma_wait3A, %dma_wait3A_138] : memref<2x80xi32, #tpu.memory_space<vmem>> -> memref<1x80xi32, #tpu.memory_space<vmem>>
      %dma_wait3A_140 = tpu.memref_squeeze %dma_wait3A_139 : memref<1x80xi32, #tpu.memory_space<vmem>> -> memref<80xi32, #tpu.memory_space<vmem>>
      %dma_wait3A_141 = arith.constant 0 : i32
      %dma_wait3A_142 = arith.constant 0 : i32
      %dma_wait3A_143 = tpu.memref_slice %arg2[%dma_wait3A_141, %dma_wait3A_142] : memref<10240x128xf32, #tpu.memory_space<hbm>> -> memref<10240x128xf32, #tpu.memory_space<hbm>>
      tpu.wait_indirect_dma semaphore(%arg11 : memref<!tpu.dma_semaphore, #tpu.memory_space<semaphore_mem>>) src(%dma_wait3A_143 : memref<10240x128xf32, #tpu.memory_space<hbm>>) dst(%arg8 : memref<80x128xf32, #tpu.memory_space<vmem>>)
      %run_scoped3A = arith.constant 0 : i32
      "tpu.region"() ({
        %run_scoped3A_144 = tpu.sem_alloc : memref<!tpu.dma_semaphore, #tpu.memory_space<semaphore_mem>>
        %dma_start3A_145 = arith.constant 0 : i32
        %dma_start3A_146 = tpu.memref_slice %arg7[%run_scoped3A, %dma_start3A_145] : memref<2x80xi32, #tpu.memory_space<vmem>> -> memref<1x80xi32, #tpu.memory_space<vmem>>
        %dma_start3A_147 = tpu.memref_squeeze %dma_start3A_146 : memref<1x80xi32, #tpu.memory_space<vmem>> -> memref<80xi32, #tpu.memory_space<vmem>>
        %dma_start3A_148 = arith.constant 0 : i32
        %dma_start3A_149 = arith.constant 0 : i32
        %dma_start3A_150 = tpu.memref_slice %arg10[%dma_start3A_148, %dma_start3A_149] : memref<10240x128xf32, #tpu.memory_space<vmem_shared>> -> memref<10240x128xf32, #tpu.memory_space<vmem_shared>>
        tpu.enqueue_indirect_dma source(%arg8 : memref<80x128xf32, #tpu.memory_space<vmem>>) target(%dma_start3A_150 : memref<10240x128xf32, #tpu.memory_space<vmem_shared>>) offsets(%dma_start3A_147 : memref<80xi32, #tpu.memory_space<vmem>>) semaphore(%run_scoped3A_144 : memref<!tpu.dma_semaphore, #tpu.memory_space<semaphore_mem>>) {add = true}
        %dma_wait3A_151 = arith.constant 0 : i32
        %dma_wait3A_152 = tpu.memref_slice %arg7[%run_scoped3A, %dma_wait3A_151] : memref<2x80xi32, #tpu.memory_space<vmem>> -> memref<1x80xi32, #tpu.memory_space<vmem>>
        %dma_wait3A_153 = tpu.memref_squeeze %dma_wait3A_152 : memref<1x80xi32, #tpu.memory_space<vmem>> -> memref<80xi32, #tpu.memory_space<vmem>>
        %dma_wait3A_154 = arith.constant 0 : i32
        %dma_wait3A_155 = arith.constant 0 : i32
        %dma_wait3A_156 = tpu.memref_slice %arg10[%dma_wait3A_154, %dma_wait3A_155] : memref<10240x128xf32, #tpu.memory_space<vmem_shared>> -> memref<10240x128xf32, #tpu.memory_space<vmem_shared>>
        tpu.wait_indirect_dma semaphore(%run_scoped3A_144 : memref<!tpu.dma_semaphore, #tpu.memory_space<semaphore_mem>>) src(%arg8 : memref<80x128xf32, #tpu.memory_space<vmem>>) dst(%dma_wait3A_156 : memref<10240x128xf32, #tpu.memory_space<vmem_shared>>)
        tpu.yield
      }) : () -> ()
    }
    %scan3A_17 = arith.constant 125 : i32
    %barrier3A_18 = arith.constant 0 : index
    tpu.barrier barrier_id(%barrier3A_18)
    %scan3A_19 = arith.constant 0 : i32
    %scan3A_20 = arith.constant 0 : i32
    %scan3A_21 = arith.constant 8 : i32
    %scan3A_22 = arith.addi %scan3A_20, %scan3A_21 : i32
    %scan3A_23 = arith.constant 1 : i32
    scf.for %scan3A_25 = %scan3A_20 to %scan3A_22 step %scan3A_23  : i32 {
      %mul3A_26 = arith.constant 640 : i32
      %mul3A_27 = arith.muli %arg1, %mul3A_26 : i32
      %mul3A_28 = arith.constant 80 : i32
      %mul3A_29 = arith.muli %scan3A_25, %mul3A_28 : i32
      %add3A_30 = arith.addi %mul3A_27, %mul3A_29 : i32
      "tpu.region"() ({
        %run_scoped3A = tpu.sem_alloc : memref<!tpu.dma_semaphore, #tpu.memory_space<semaphore_mem>>
        %dma_start3A = arith.constant 0 : i32
        %dma_start3A_36 = tpu.memref_slice %arg10[%add3A_30, %dma_start3A] : memref<10240x128xf32, #tpu.memory_space<vmem_shared>> -> memref<80x128xf32, #tpu.memory_space<vmem_shared>>
        %dma_start3A_37 = arith.constant 0 : i32
        %dma_start3A_38 = tpu.memref_slice %arg10[%add3A_30, %dma_start3A_37] : memref<10240x128xf32, #tpu.memory_space<vmem_shared>> -> memref<80x128xf32, #tpu.memory_space<vmem_shared>>
        tpu.enqueue_dma source(%dma_start3A_38 : memref<80x128xf32, #tpu.memory_space<vmem_shared>>) target(%arg9 : memref<80x128xf32, #tpu.memory_space<vmem>>) target_semaphore(%run_scoped3A : memref<!tpu.dma_semaphore, #tpu.memory_space<semaphore_mem>>)
        %dma_wait3A = arith.constant 0 : i32
        %dma_wait3A_39 = tpu.memref_slice %arg10[%add3A_30, %dma_wait3A] : memref<10240x128xf32, #tpu.memory_space<vmem_shared>> -> memref<80x128xf32, #tpu.memory_space<vmem_shared>>
        %dma_wait3A_40 = arith.constant 0 : i32
        %dma_wait3A_41 = tpu.memref_slice %arg10[%add3A_30, %dma_wait3A_40] : memref<10240x128xf32, #tpu.memory_space<vmem_shared>> -> memref<80x128xf32, #tpu.memory_space<vmem_shared>>
        tpu.wait_dma2 semaphore(%run_scoped3A : memref<!tpu.dma_semaphore, #tpu.memory_space<semaphore_mem>>) src(%dma_wait3A_41 : memref<80x128xf32, #tpu.memory_space<vmem_shared>>) dst(%arg9 : memref<80x128xf32, #tpu.memory_space<vmem>>)
        tpu.yield
      }) : () -> ()
      %mul3A_31 = arith.constant 640 : i32
      %mul3A_32 = arith.muli %arg1, %mul3A_31 : i32
      %mul3A_33 = arith.constant 80 : i32
      %mul3A_34 = arith.muli %scan3A_25, %mul3A_33 : i32
      %add3A_35 = arith.addi %mul3A_32, %mul3A_34 : i32
      "tpu.region"() ({
        %run_scoped3A = tpu.sem_alloc : memref<!tpu.dma_semaphore, #tpu.memory_space<semaphore_mem>>
        %dma_start3A = arith.constant 0 : i32
        %dma_start3A_36 = tpu.memref_slice %arg4[%arg0, %add3A_35, %dma_start3A] : memref<2x10240x128xf32, #tpu.memory_space<hbm>> -> memref<1x80x128xf32, #tpu.memory_space<hbm>>
        %dma_start3A_37 = tpu.memref_squeeze %dma_start3A_36 : memref<1x80x128xf32, #tpu.memory_space<hbm>> -> memref<80x128xf32, #tpu.memory_space<hbm>>
        %dma_start3A_38 = arith.constant 0 : i32
        %dma_start3A_39 = tpu.memref_slice %arg4[%arg0, %add3A_35, %dma_start3A_38] : memref<2x10240x128xf32, #tpu.memory_space<hbm>> -> memref<1x80x128xf32, #tpu.memory_space<hbm>>
        %dma_start3A_40 = tpu.memref_squeeze %dma_start3A_39 : memref<1x80x128xf32, #tpu.memory_space<hbm>> -> memref<80x128xf32, #tpu.memory_space<hbm>>
        tpu.enqueue_dma source(%arg9 : memref<80x128xf32, #tpu.memory_space<vmem>>) target(%dma_start3A_40 : memref<80x128xf32, #tpu.memory_space<hbm>>) target_semaphore(%run_scoped3A : memref<!tpu.dma_semaphore, #tpu.memory_space<semaphore_mem>>)
        %dma_wait3A = arith.constant 0 : i32
        %dma_wait3A_41 = tpu.memref_slice %arg4[%arg0, %add3A_35, %dma_wait3A] : memref<2x10240x128xf32, #tpu.memory_space<hbm>> -> memref<1x80x128xf32, #tpu.memory_space<hbm>>
        %dma_wait3A_42 = tpu.memref_squeeze %dma_wait3A_41 : memref<1x80x128xf32, #tpu.memory_space<hbm>> -> memref<80x128xf32, #tpu.memory_space<hbm>>
        %dma_wait3A_43 = arith.constant 0 : i32
        %dma_wait3A_44 = tpu.memref_slice %arg4[%arg0, %add3A_35, %dma_wait3A_43] : memref<2x10240x128xf32, #tpu.memory_space<hbm>> -> memref<1x80x128xf32, #tpu.memory_space<hbm>>
        %dma_wait3A_45 = tpu.memref_squeeze %dma_wait3A_44 : memref<1x80x128xf32, #tpu.memory_space<hbm>> -> memref<80x128xf32, #tpu.memory_space<hbm>>
        tpu.wait_dma2 semaphore(%run_scoped3A : memref<!tpu.dma_semaphore, #tpu.memory_space<semaphore_mem>>) src(%arg9 : memref<80x128xf32, #tpu.memory_space<vmem>>) dst(%dma_wait3A_45 : memref<80x128xf32, #tpu.memory_space<hbm>>)
        tpu.yield
      }) : () -> ()
    }
    %scan3A_24 = arith.constant 8 : i32
    return
  }
}

module attributes {stable_mosaic.version = 14 : i64} {
  func.func @_tc_a_body(%arg0: i32, %arg1: memref<2048x2xf32, #tpu.memory_space<vmem>>, %arg2: memref<2048x128xf32, #tpu.memory_space<vmem>>, %arg3: memref<128x128xf32, #tpu.memory_space<vmem>>, %arg4: memref<2048x1xf32, #tpu.memory_space<vmem>>, %arg5: memref<2048x128xf32, #tpu.memory_space<vmem>>) attributes {dimension_semantics = [#tpu.dimension_semantics<arbitrary>], iteration_bounds = array<i64: 5>, scalar_prefetch = 0 : i64, scratch_operands = 0 : i64, tpu.core_type = #tpu.core_type<tc>, window_params = [{transform_indices = @transform_0, window_bounds = array<i64: 2048, 2>}, {transform_indices = @transform_1, window_bounds = array<i64: 2048, 128>}, {pipeline_mode = #tpu.pipeline_mode<synchronous>, transform_indices = @transform_2, window_bounds = array<i64: 128, 128>}, {transform_indices = @transform_3, window_bounds = array<i64: 2048, 1>}, {transform_indices = @transform_4, window_bounds = array<i64: 2048, 128>}]} {
    %get3A = arith.constant 0 : index
    %get3A_0 = arith.constant 0 : index
    %get3A_1 = vector.load %arg1[%get3A, %get3A_0] : memref<2048x2xf32, #tpu.memory_space<vmem>>, vector<2048x1xf32>
    %get3A_2 = arith.constant 0 : index
    %get3A_3 = arith.constant 1 : index
    %get3A_4 = vector.load %arg1[%get3A_2, %get3A_3] : memref<2048x2xf32, #tpu.memory_space<vmem>>, vector<2048x1xf32>
    %add3A = arith.addf %get3A_1, %get3A_4 : vector<2048x1xf32>
    %add3A_5 = arith.constant 1.000000e+00 : f32
    %add3A_6 = vector.broadcast %add3A_5 : f32 to vector<2048x1xf32>
    %add3A_7 = arith.addf %add3A, %add3A_6 : vector<2048x1xf32>
    %rsqrt3A = math.rsqrt %add3A_7 : vector<2048x1xf32>
    %swap3A = arith.constant 0 : index
    %swap3A_8 = arith.constant 0 : index
    %swap3A_9 = vector.load %arg4[%swap3A, %swap3A_8] : memref<2048x1xf32, #tpu.memory_space<vmem>>, vector<2048x1xf32>
    tpu.vector_store %arg4[%swap3A, %swap3A_8], %rsqrt3A {strides = array<i32>} : memref<2048x1xf32, #tpu.memory_space<vmem>>, vector<2048x1xf32>,
    %get3A_10 = arith.constant 0 : index
    %get3A_11 = arith.constant 0 : index
    %get3A_12 = vector.load %arg2[%get3A_10, %get3A_11] : memref<2048x128xf32, #tpu.memory_space<vmem>>, vector<2048x128xf32>
    %get3A_13 = arith.constant 0 : index
    %get3A_14 = arith.constant 0 : index
    %get3A_15 = vector.load %arg3[%get3A_13, %get3A_14] : memref<128x128xf32, #tpu.memory_space<vmem>>, vector<128x128xf32>
    %dot_general3A = arith.constant dense<0.000000e+00> : vector<2048x128xf32>
    %dot_general3A_16 = tpu.matmul %get3A_12, %get3A_15, %dot_general3A {dimension_numbers = #tpu.dot_dimension_numbers<[1], [0], [0], [1], [0, 0, 1, 1], [], []>, transpose_lhs_hint = false} : vector<2048x128xf32>, vector<128x128xf32>, vector<2048x128xf32> -> vector<2048x128xf32>
    %mul3A = vector.broadcast %rsqrt3A : vector<2048x1xf32> to vector<2048x128xf32>
    %mul3A_17 = arith.mulf %mul3A, %dot_general3A_16 : vector<2048x128xf32>
    %swap3A_18 = arith.constant 0 : index
    %swap3A_19 = arith.constant 0 : index
    %swap3A_20 = vector.load %arg5[%swap3A_18, %swap3A_19] : memref<2048x128xf32, #tpu.memory_space<vmem>>, vector<2048x128xf32>
    tpu.vector_store %arg5[%swap3A_18, %swap3A_19], %mul3A_17 {strides = array<i32>} : memref<2048x128xf32, #tpu.memory_space<vmem>>, vector<2048x128xf32>,
    return
  }
  func.func @transform_0(%arg0: i32) -> (i32, i32) {
    %c0_i32 = arith.constant 0 : i32
    %c0_i32_0 = arith.constant 0 : i32
    return %arg0, %c0_i32 : i32, i32
  }
  func.func @transform_1(%arg0: i32) -> (i32, i32) {
    %c0_i32 = arith.constant 0 : i32
    %c0_i32_0 = arith.constant 0 : i32
    return %arg0, %c0_i32 : i32, i32
  }
  func.func @transform_2(%arg0: i32) -> (i32, i32) {
    %c0_i32 = arith.constant 0 : i32
    %c0_i32_0 = arith.constant 0 : i32
    %c0_i32_1 = arith.constant 0 : i32
    return %c0_i32, %c0_i32_0 : i32, i32
  }
  func.func @transform_3(%arg0: i32) -> (i32, i32) {
    %c0_i32 = arith.constant 0 : i32
    %c0_i32_0 = arith.constant 0 : i32
    return %arg0, %c0_i32 : i32, i32
  }
  func.func @transform_4(%arg0: i32) -> (i32, i32) {
    %c0_i32 = arith.constant 0 : i32
    %c0_i32_0 = arith.constant 0 : i32
    return %arg0, %c0_i32 : i32, i32
  }
}

module attributes {stable_mosaic.version = 14 : i64} {
  func.func @_tc_b_body(%arg0: i32, %arg1: memref<2x2048x128xf32, #tpu.memory_space<vmem>>, %arg2: memref<2048x128xf32, #tpu.memory_space<vmem>>, %arg3: memref<2048x1xf32, #tpu.memory_space<vmem>>, %arg4: memref<1x128xf32, #tpu.memory_space<vmem>>, %arg5: memref<128x128xf32, #tpu.memory_space<vmem>>, %arg6: memref<2048x128xf32, #tpu.memory_space<vmem>>) attributes {dimension_semantics = [#tpu.dimension_semantics<arbitrary>], iteration_bounds = array<i64: 5>, scalar_prefetch = 0 : i64, scratch_operands = 0 : i64, tpu.core_type = #tpu.core_type<tc>, window_params = [{transform_indices = @transform_0, window_bounds = array<i64: 2, 2048, 128>}, {transform_indices = @transform_1, window_bounds = array<i64: 2048, 128>}, {transform_indices = @transform_2, window_bounds = array<i64: 2048, 1>}, {pipeline_mode = #tpu.pipeline_mode<synchronous>, transform_indices = @transform_3, window_bounds = array<i64: 1, 128>}, {pipeline_mode = #tpu.pipeline_mode<synchronous>, transform_indices = @transform_4, window_bounds = array<i64: 128, 128>}, {transform_indices = @transform_5, window_bounds = array<i64: 2048, 128>}]} {
    %get3A = arith.constant 0 : index
    %get3A_0 = arith.constant 0 : index
    %get3A_1 = vector.load %arg3[%get3A, %get3A_0] : memref<2048x1xf32, #tpu.memory_space<vmem>>, vector<2048x1xf32>
    %get3A_2 = arith.constant 0 : index
    %get3A_3 = arith.constant 0 : index
    %get3A_4 = arith.constant 0 : index
    %get3A_5 = vector.load %arg1[%get3A_2, %get3A_3, %get3A_4] : memref<2x2048x128xf32, #tpu.memory_space<vmem>>, vector<1x2048x128xf32>
    %get3A_6 = vector.shape_cast %get3A_5 : vector<1x2048x128xf32> to vector<2048x128xf32>
    %get3A_7 = arith.constant 1 : index
    %get3A_8 = arith.constant 0 : index
    %get3A_9 = arith.constant 0 : index
    %get3A_10 = vector.load %arg1[%get3A_7, %get3A_8, %get3A_9] : memref<2x2048x128xf32, #tpu.memory_space<vmem>>, vector<1x2048x128xf32>
    %get3A_11 = vector.shape_cast %get3A_10 : vector<1x2048x128xf32> to vector<2048x128xf32>
    %add3A = arith.addf %get3A_6, %get3A_11 : vector<2048x128xf32>
    %get3A_12 = arith.constant 0 : index
    %get3A_13 = arith.constant 0 : index
    %get3A_14 = vector.load %arg2[%get3A_12, %get3A_13] : memref<2048x128xf32, #tpu.memory_space<vmem>>, vector<2048x128xf32>
    %add3A_15 = arith.addf %add3A, %get3A_14 : vector<2048x128xf32>
    %mul3A = vector.broadcast %get3A_1 : vector<2048x1xf32> to vector<2048x128xf32>
    %mul3A_16 = arith.mulf %mul3A, %add3A_15 : vector<2048x128xf32>
    %get3A_17 = arith.constant 0 : index
    %get3A_18 = arith.constant 0 : index
    %get3A_19 = vector.load %arg4[%get3A_17, %get3A_18] : memref<1x128xf32, #tpu.memory_space<vmem>>, vector<1x128xf32>
    %add3A_20 = vector.broadcast %get3A_19 : vector<1x128xf32> to vector<2048x128xf32>
    %add3A_21 = arith.addf %mul3A_16, %add3A_20 : vector<2048x128xf32>
    %max3A = arith.constant 0.000000e+00 : f32
    %max3A_22 = vector.broadcast %max3A : f32 to vector<2048x128xf32>
    %max3A_23 = arith.maximumf %add3A_21, %max3A_22 : vector<2048x128xf32>
    %get3A_24 = arith.constant 0 : index
    %get3A_25 = arith.constant 0 : index
    %get3A_26 = vector.load %arg5[%get3A_24, %get3A_25] : memref<128x128xf32, #tpu.memory_space<vmem>>, vector<128x128xf32>
    %dot_general3A = arith.constant dense<0.000000e+00> : vector<2048x128xf32>
    %dot_general3A_27 = tpu.matmul %max3A_23, %get3A_26, %dot_general3A {dimension_numbers = #tpu.dot_dimension_numbers<[1], [0], [0], [1], [0, 0, 1, 1], [], []>, transpose_lhs_hint = false} : vector<2048x128xf32>, vector<128x128xf32>, vector<2048x128xf32> -> vector<2048x128xf32>
    %mul3A_28 = vector.broadcast %get3A_1 : vector<2048x1xf32> to vector<2048x128xf32>
    %mul3A_29 = arith.mulf %mul3A_28, %dot_general3A_27 : vector<2048x128xf32>
    %swap3A = arith.constant 0 : index
    %swap3A_30 = arith.constant 0 : index
    %swap3A_31 = vector.load %arg6[%swap3A, %swap3A_30] : memref<2048x128xf32, #tpu.memory_space<vmem>>, vector<2048x128xf32>
    tpu.vector_store %arg6[%swap3A, %swap3A_30], %mul3A_29 {strides = array<i32>} : memref<2048x128xf32, #tpu.memory_space<vmem>>, vector<2048x128xf32>,
    return
  }
  func.func @transform_0(%arg0: i32) -> (i32, i32, i32) {
    %c0_i32 = arith.constant 0 : i32
    %c0_i32_0 = arith.constant 0 : i32
    %c0_i32_1 = arith.constant 0 : i32
    return %c0_i32, %arg0, %c0_i32_0 : i32, i32, i32
  }
  func.func @transform_1(%arg0: i32) -> (i32, i32) {
    %c0_i32 = arith.constant 0 : i32
    %c0_i32_0 = arith.constant 0 : i32
    return %arg0, %c0_i32 : i32, i32
  }
  func.func @transform_2(%arg0: i32) -> (i32, i32) {
    %c0_i32 = arith.constant 0 : i32
    %c0_i32_0 = arith.constant 0 : i32
    return %arg0, %c0_i32 : i32, i32
  }
  func.func @transform_3(%arg0: i32) -> (i32, i32) {
    %c0_i32 = arith.constant 0 : i32
    %c0_i32_0 = arith.constant 0 : i32
    %c0_i32_1 = arith.constant 0 : i32
    return %c0_i32, %c0_i32_0 : i32, i32
  }
  func.func @transform_4(%arg0: i32) -> (i32, i32) {
    %c0_i32 = arith.constant 0 : i32
    %c0_i32_0 = arith.constant 0 : i32
    %c0_i32_1 = arith.constant 0 : i32
    return %c0_i32, %c0_i32_0 : i32, i32
  }
  func.func @transform_5(%arg0: i32) -> (i32, i32) {
    %c0_i32 = arith.constant 0 : i32
    %c0_i32_0 = arith.constant 0 : i32
    return %arg0, %c0_i32 : i32, i32
  }
}

module attributes {stable_mosaic.version = 14 : i64} {
  func.func @_tc_c_body(%arg0: i32, %arg1: memref<2x2048x128xf32, #tpu.memory_space<vmem>>, %arg2: memref<2048x128xf32, #tpu.memory_space<vmem>>, %arg3: memref<2048x1xf32, #tpu.memory_space<vmem>>, %arg4: memref<1x128xf32, #tpu.memory_space<vmem>>, %arg5: memref<2048x128xf32, #tpu.memory_space<vmem>>) attributes {dimension_semantics = [#tpu.dimension_semantics<arbitrary>], iteration_bounds = array<i64: 5>, scalar_prefetch = 0 : i64, scratch_operands = 0 : i64, tpu.core_type = #tpu.core_type<tc>, window_params = [{transform_indices = @transform_0, window_bounds = array<i64: 2, 2048, 128>}, {transform_indices = @transform_1, window_bounds = array<i64: 2048, 128>}, {transform_indices = @transform_2, window_bounds = array<i64: 2048, 1>}, {pipeline_mode = #tpu.pipeline_mode<synchronous>, transform_indices = @transform_3, window_bounds = array<i64: 1, 128>}, {transform_indices = @transform_4, window_bounds = array<i64: 2048, 128>}]} {
    %get3A = arith.constant 0 : index
    %get3A_0 = arith.constant 0 : index
    %get3A_1 = arith.constant 0 : index
    %get3A_2 = vector.load %arg1[%get3A, %get3A_0, %get3A_1] : memref<2x2048x128xf32, #tpu.memory_space<vmem>>, vector<1x2048x128xf32>
    %get3A_3 = vector.shape_cast %get3A_2 : vector<1x2048x128xf32> to vector<2048x128xf32>
    %get3A_4 = arith.constant 1 : index
    %get3A_5 = arith.constant 0 : index
    %get3A_6 = arith.constant 0 : index
    %get3A_7 = vector.load %arg1[%get3A_4, %get3A_5, %get3A_6] : memref<2x2048x128xf32, #tpu.memory_space<vmem>>, vector<1x2048x128xf32>
    %get3A_8 = vector.shape_cast %get3A_7 : vector<1x2048x128xf32> to vector<2048x128xf32>
    %add3A = arith.addf %get3A_3, %get3A_8 : vector<2048x128xf32>
    %get3A_9 = arith.constant 0 : index
    %get3A_10 = arith.constant 0 : index
    %get3A_11 = vector.load %arg2[%get3A_9, %get3A_10] : memref<2048x128xf32, #tpu.memory_space<vmem>>, vector<2048x128xf32>
    %add3A_12 = arith.addf %add3A, %get3A_11 : vector<2048x128xf32>
    %get3A_13 = arith.constant 0 : index
    %get3A_14 = arith.constant 0 : index
    %get3A_15 = vector.load %arg3[%get3A_13, %get3A_14] : memref<2048x1xf32, #tpu.memory_space<vmem>>, vector<2048x1xf32>
    %mul3A = vector.broadcast %get3A_15 : vector<2048x1xf32> to vector<2048x128xf32>
    %mul3A_16 = arith.mulf %mul3A, %add3A_12 : vector<2048x128xf32>
    %get3A_17 = arith.constant 0 : index
    %get3A_18 = arith.constant 0 : index
    %get3A_19 = vector.load %arg4[%get3A_17, %get3A_18] : memref<1x128xf32, #tpu.memory_space<vmem>>, vector<1x128xf32>
    %add3A_20 = vector.broadcast %get3A_19 : vector<1x128xf32> to vector<2048x128xf32>
    %add3A_21 = arith.addf %mul3A_16, %add3A_20 : vector<2048x128xf32>
    %swap3A = arith.constant 0 : index
    %swap3A_22 = arith.constant 0 : index
    %swap3A_23 = vector.load %arg5[%swap3A, %swap3A_22] : memref<2048x128xf32, #tpu.memory_space<vmem>>, vector<2048x128xf32>
    tpu.vector_store %arg5[%swap3A, %swap3A_22], %add3A_21 {strides = array<i32>} : memref<2048x128xf32, #tpu.memory_space<vmem>>, vector<2048x128xf32>,
    return
  }
  func.func @transform_0(%arg0: i32) -> (i32, i32, i32) {
    %c0_i32 = arith.constant 0 : i32
    %c0_i32_0 = arith.constant 0 : i32
    %c0_i32_1 = arith.constant 0 : i32
    return %c0_i32, %arg0, %c0_i32_0 : i32, i32, i32
  }
  func.func @transform_1(%arg0: i32) -> (i32, i32) {
    %c0_i32 = arith.constant 0 : i32
    %c0_i32_0 = arith.constant 0 : i32
    return %arg0, %c0_i32 : i32, i32
  }
  func.func @transform_2(%arg0: i32) -> (i32, i32) {
    %c0_i32 = arith.constant 0 : i32
    %c0_i32_0 = arith.constant 0 : i32
    return %arg0, %c0_i32 : i32, i32
  }
  func.func @transform_3(%arg0: i32) -> (i32, i32) {
    %c0_i32 = arith.constant 0 : i32
    %c0_i32_0 = arith.constant 0 : i32
    %c0_i32_1 = arith.constant 0 : i32
    return %c0_i32, %c0_i32_0 : i32, i32
  }
  func.func @transform_4(%arg0: i32) -> (i32, i32) {
    %c0_i32 = arith.constant 0 : i32
    %c0_i32_0 = arith.constant 0 : i32
    return %arg0, %c0_i32 : i32, i32
  }
}

</mosaic_0001>

<sc_bundles>
// kernel: kernel.11.cloned.1.call-start
scs
__scs_entry_jumppad:
0x0: {  	(pc) =	sbr.rel $0x88, $3  }
0x1: {  	(tag) =	ssettag $0x0;
	lr =	simm.s32 $0x1  }
0x2: {  	[smem:$0x3F9B] =	sst lr;
	_ =	strace $0xD0000000  }
0x3: {  	_ = 	snop  }
0x4: {  	_ = 	snop  }
0x5: {  	_ = 	snop  }
0x6: {  	_ = 	snop  }
0x7: {  	_ = 	snop  }
__scs_overlays_trampoline_lowered:
0x8: {  	[smem:$0x3FAA] =	sst s0  }
0x9: {  	[smem:$0x3FAB] =	sst s1  }
0xa: {  	[smem:$0x3FAC] =	sst s2  }
0xb: {  	[smem:$0x3FAD] =	sst s3  }
0xc: {  	[smem:$0x3FAE] =	sst s4  }
0xd: {  	[smem:$0x3FAF] =	sst s5  }
0xe: {  	[smem:$0x3FB0] =	sst s6  }
0xf: {  	[smem:$0x3FB1] =	sst s7  }
0x10: {  	[smem:$0x3FB2] =	sst s8  }
0x11: {  	[smem:$0x3FB3] =	sst s9;
	s0 =	simm.s32 @!p0 $0x0  }
0x12: {  	s1 =	sld [smem:$0x3F99];
	s0 =	simm.s32 @p0 $0x1  }
0x13: {  	[smem:$0x3FB4] =	sst s0;
	s0 =	simm.s32 @!p1 $0x0  }
0x14: {  	s2 =	sld [smem:$0x3F98];
	s0 =	simm.s32 @p1 $0x1  }
0x15: {  	[smem:$0x3FB5] =	sst s0;
	s0 =	simm.s32 @!p2 $0x0  }
0x16: {  	s3 =	sld [smem:$0x3FDB];
	s0 =	simm.s32 @p2 $0x1  }
0x17: {  	s4 =	simm.s32 $0x1BF5;
	[smem:$0x3FB7] =	sst s0  }
0x18: {  	s0 =	sld [smem:$0x3F9A];
	_ =	swait.ge [sflag:s4], $0x0  }
0x19: {  	s7 =	sld [smem:$0x3F9B]  }
0x1a: {  	s8 =	sadd.s32 $0xFFFFE003, lr  }
0x1b: {  	s9 =	sadd.s32 $0xFFFFFEF7, lr;
	s5 =	simm.s32 $0xFFFFFFFF;
	p2 =	slt.u32 s8, $0xFFFFF086  }
0x1c: {  	p1 =	slt.u32 s9, $0xF7A;
	s5 =	simm.s32 @!p2 $0x0  }
0x1d: {  	s5 =	simm.s32 @p1 $0x1;
	p0 =	seq.s32 s7, s2  }
0x1e: {  	s7 =	smul.u32 @!p0 $0xF7A, s2;
	p2 =	seq.s32 @!p0 s5, $0x0  }
0x1f: {  	s9 =	smul.u32 $0xF7A, s1;
	s8 =	simm.s32 @!p0 $0x1BF5;
	p2 =	por !p2, p0  }
0x20: {  	[sflag:s8] =	ssyncset.s32 @!p0 $0xFFFFF086;
	s6 =	sadd.s32 @!p0 s3, s7;
	s7 =	simm.s32 @!p0 $0x108  }
0x21: {  	s3 =	sadd.s32 s3, s9;
	s6 =	sadd.s32 @!p0 $0x88, s6;
	s7 =	simm.s32 @p2 $0x1082  }
0x22: {  	[simem:s7], [sflag:s8] =	dma.local @!p0 [hbm:s6], $0xF7A  }
0x23: {  	s9 =	sor.u32 $0xD0000000, s2;
	s6 =	simm.s32 $0x108;
	_ =	swait.ge @!p0 [sflag:s8], $0x0  }
0x24: {  	s3 =	sadd.s32 $0x88, s3;
	s6 =	simm.s32 @!p1 $0x1082;
	[sflag:s4] =	ssyncset.s32 $0xFFFFF086  }
0x25: {  	[simem:s6], [sflag:s4] =	dma.local [hbm:s3], $0xF7A  }
0x26: {  	[smem:$0x3F9B] =	sst s1;
	(tag) =	ssettag s2;
	_ =	strace s9  }
0x27: {  	s1 =	sld [smem:$0x3FAB]  }
0x28: {  	s2 =	sld [smem:$0x3FAC]  }
0x29: {  	s4 =	sld [smem:$0x3FAE]  }
0x2a: {  	p0 =	seq.s32 s5, $0x0;
	s5 =	sld [smem:$0x3FAF]  }
0x2b: {  	s6 =	sld [smem:$0x3FB0]  }
0x2c: {  	s7 =	sld [smem:$0x3FB1]  }
0x2d: {  	s3 =	simm.s32 $0x108;
	s8 =	sld [smem:$0x3FB2]  }
0x2e: {  	s3 =	simm.s32 @!p0 $0x1082;
	s9 =	sld [smem:$0x3FB3]  }
0x2f: {  	lr =	sadd.s32 s0, s3;
	s0 =	sld [smem:$0x3FAA]  }
0x30: {  	s3 =	sld [smem:$0x3FAD]  }
0x31: {  	[smem:$0x3FB6] =	sst s10  }
0x32: {  	s10 =	sld [smem:$0x3FB4];
	_ =	sdelay $0x3  }
0x33: {  	p0 =	seq.s32 s10, $0x1;
	s10 =	sld [smem:$0x3FB6];
	_ =	sdelay $0x3  }
0x34: {  	[smem:$0x3FB6] =	sst s10  }
0x35: {  	s10 =	sld [smem:$0x3FB5];
	_ =	sdelay $0x3  }
0x36: {  	p1 =	seq.s32 s10, $0x1;
	s10 =	sld [smem:$0x3FB6];
	_ =	sdelay $0x3  }
0x37: {  	[smem:$0x3FB6] =	sst s10  }
0x38: {  	s10 =	sld [smem:$0x3FB7]  }
0x39: {  	_ = 	snop;
	(pc) =	sbr.ind lr, $3  }
0x3a: {  	_ = 	snop  }
0x3b: {  	_ = 	snop  }
0x3c: {  	p2 =	seq.s32 s10, $0x1;
	s10 =	sld [smem:$0x3FB6]  }
0x3d: {  	_ =	shalt  }
0x3e: {  	_ =	shalt  }
0x3f: {  	_ =	shalt  }
0x40: {  	_ =	shalt  }
0x41: {  	_ =	shalt  }
0x42: {  	_ =	shalt  }
0x43: {  	_ =	shalt  }
0x44: {  	_ =	shalt  }
0x45: {  	_ =	shalt  }
0x46: {  	_ =	shalt  }
0x47: {  	_ =	shalt  }
0x48: {  	_ =	shalt  }
0x49: {  	_ =	shalt  }
0x4a: {  	_ =	shalt  }
0x4b: {  	_ =	shalt  }
0x4c: {  	_ =	shalt  }
0x4d: {  	_ =	shalt  }
0x4e: {  	_ =	shalt  }
0x4f: {  	_ =	shalt  }
0x50: {  	_ =	shalt  }
0x51: {  	_ =	shalt  }
0x52: {  	_ =	shalt  }
0x53: {  	_ =	shalt  }
0x54: {  	_ =	shalt  }
0x55: {  	_ =	shalt  }
0x56: {  	_ =	shalt  }
0x57: {  	_ =	shalt  }
0x58: {  	_ =	shalt  }
0x59: {  	_ =	shalt  }
0x5a: {  	_ =	shalt  }
0x5b: {  	_ =	shalt  }
0x5c: {  	_ =	shalt  }
0x5d: {  	_ =	shalt  }
0x5e: {  	_ =	shalt  }
0x5f: {  	_ =	shalt  }
0x60: {  	_ =	shalt  }
0x61: {  	_ =	shalt  }
0x62: {  	_ =	shalt  }
0x63: {  	_ =	shalt  }
0x64: {  	_ =	shalt  }
0x65: {  	_ =	shalt  }
0x66: {  	_ =	shalt  }
0x67: {  	_ =	shalt  }
0x68: {  	_ =	shalt  }
0x69: {  	_ =	shalt  }
0x6a: {  	_ =	shalt  }
0x6b: {  	_ =	shalt  }
0x6c: {  	_ =	shalt  }
0x6d: {  	_ =	shalt  }
0x6e: {  	_ =	shalt  }
0x6f: {  	_ =	shalt  }
0x70: {  	_ =	shalt  }
0x71: {  	_ =	shalt  }
0x72: {  	_ =	shalt  }
0x73: {  	_ =	shalt  }
0x74: {  	_ =	shalt  }
0x75: {  	_ =	shalt  }
0x76: {  	_ =	shalt  }
0x77: {  	_ =	shalt  }
0x78: {  	_ =	shalt  }
0x79: {  	_ =	shalt  }
0x7a: {  	_ =	shalt  }
0x7b: {  	_ =	shalt  }
0x7c: {  	_ =	shalt  }
0x7d: {  	_ =	shalt  }
0x7e: {  	_ =	shalt  }
0x7f: {  	_ =	shalt  }
0x80: {  	_ =	shalt  }
0x81: {  	_ =	shalt  }
0x82: {  	_ =	shalt  }
0x83: {  	_ =	shalt  }
0x84: {  	_ =	shalt  }
0x85: {  	_ =	shalt  }
0x86: {  	_ =	shalt  }
0x87: {  	_ =	shalt  }
.Lfunc_end0:
.L_simem_size_0:
called_computation.1_lowered:
.L_overlay_start_0:
0x88: {  	s2 =	sld [smem:$0x3FD9]  }
0x89: {  	s3 =	sld [smem:$0x3FFE];
	_ =	sdelay $0x1  }
0x8a: {  	s1 =	srdreg.scid  }
0x8b: {  	s0 =	sand.u32 $0x1, s1  }
0x8c: {  	s16 =	sshll.u32 s0, $0xA;
	s2 =	sadd.s32 s3, s2  }
0x8d: {  	s2 =	sadd.s32 s2, s16  }
0x8e: {  	[smem:$0x3FC2] =	sst s2  }
0x8f: {  	_ = 	snop  }
0x90: {  	(tm) =	ssettm $0x1  }
0x91: {  	s17 =	sld [smem:$0x3FFB];
	_ =	sdelay $0x3  }
0x92: {  	_ =	strace s17  }
0x93: {  	s2 =	sld [smem:$0x3FFC];
	_ =	sdelay $0x3  }
0x94: {  	_ =	strace s2  }
0x95: {  	s2 =	sld [smem:$0x3FFD];
	_ =	sdelay $0x3  }
0x96: {  	_ =	strace s2  }
0x97: {  	_ =	strace $0x8FFFFFFF  }
0x98: {  	s18 =	sld [smem:$0x3FDB];
	_ =	sdelay $0x1  }
0x99: {  	s19 =	simm.s32 $_scs_section_size  }
0x9a: {  	s4 =	simm.s32 $_size__tile_overlayer_lowered;
	s5 =	simm.s32 $_tile_overlayer_lowered  }
0x9b: {  	s22 =	simm.s32 $0x1BFF;
	s21 =	sshll.u32 s5, $0x1;
	s2 =	sadd.s32 s19, s18  }
0x9c: {  	s6 =	simm.s32 $0x0;
	s20 =	sshll.u32 s4, $0x1;
	s4 =	sadd.s32 s21, s2  }
0x9d: {  	[timem:s6], [sflag:s22] =	dma.local [hbm:s4], s20  }
0x9e: {  	_ =	swait.ge [sflag:s22], s20  }
0x9f: {  	s3 =	ssub.s32 $0x0, s20;
	[sflag:s22] =	ssyncset.done $0x0  }
0xa0: {  	[sflag:s22] =	ssyncadd.s32 s3;
	_ =	sdelay $0x1  }
0xa1: {  	s23 =	simm.s32 $0x1B8B  }
0xa2: {  	_ =	swait.ge [sflag:s23], $0x1  }
0xa3: {  	[sflag:s23] =	ssyncset.done $0x0  }
0xa4: {  	s25 =	simm.s32 $0x1B8E;
	s24 =	sld [smem:$0x3FFE];
	[sflag:s23] =	ssyncadd.s32 $0xFFFFFFFF  }
0xa5: {  	s26 =	simm.s32 $execute0_lowered;
	[smem:$0x3FD2] =	sst s25  }
0xa6: {  	s4 =	sshll.u32 s26, $0x1;
	_ =	strace $0x80000049;
	[dreg:$0x1] =	wrdreg $0xFFFFFFFF  }
0xa7: {  	s28 =	simm.s32 $_size_execute0_lowered;
	s2 =	sadd.s32 s2, s4;
	[dreg:$0x0] =	wrdreg $0x0  }
0xa8: {  	s4 =	sshll.u32 s28, $0x1;
	[dreg:$0x2] =	wrdreg s2  }
0xa9: {  	[dreg:$0x3] =	wrdreg s4  }
0xaa: {  	[dreg:$0x4] =	wrdreg $0xC0  }
0xab: {  	_ =	task [dreg:s6], $0x5FFFF  }
0xac: {  	[dreg:$0x1] =	wrdreg $0xFFFFFFFF  }
0xad: {  	[dreg:$0x0] =	wrdreg $0x60  }
0xae: {  	[dreg:$0x2] =	wrdreg s24  }
0xaf: {  	[dreg:$0x3] =	wrdreg $0x92000  }
0xb0: {  	[dreg:$0x4] =	wrdreg $0x9  }
0xb1: {  	_ =	task.clear_ibuf [dreg:s6], $0x5FFFF;
	_ =	strace $0x90000049  }
0xb2: {  	s29 =	simm.s32 $0x9;
	_ =	strace $0x8000004B  }
0xb3: {  	_ =	swait.ge [sflag:s29], $0x1  }
0xb4: {  	[sflag:s29] =	ssyncadd.s32 $0xFFFFFFFF  }
0xb5: {  	_ =	strace $0x9000004B  }
0xb6: {  	_ =	sfence  }
0xb7: {  	s30 =	sld [smem:$0x0];
	_ =	sdelay $0x2  }
0xb8: {  	s31 =	sshll.u32 s1, $0xD;
	s1 =	sshrl.u32 s1, $0x2  }
0xb9: {  	s3 =	sand.u32 $0x4000, s31;
	s1 =	sadd.s32 s1, s30  }
0xba: {  	s0 =	sor.u32 s3, s0;
	s1 =	sshll.u32 s1, $0x11  }
0xbb: {  	s0 =	sor.u32 s1, s0  }
0xbc: {  	s0 =	sadd.s32 $0x8F2B, s0  }
0xbd: {  	[sflag:s0] =	ssyncadd.remote.s32 $0x1  }
0xbe: {  	_ =	sfence.sel $0xFFFF  }
0xbf: {  	[dreg:$0x0] =	wrdreg $0xFFFFFFFF;
	(pc) =	sbr.abs _section_cstart, $3  }
0xc0: {  	[dreg:$0x1] =	wrdreg $0xFFFFFFFF  }
0xc1: {  	_ =	task.clear_ibuf [dreg:s6], $0x2FFFF;
	_ =	strace $0x9FFFFFFF  }
0xc2: {  	(tm) =	ssettm $0x7FFFFFFF  }
0xc3: {  	_ =	shalt  }
tec
execute0_lowered:
.L_overlay_start_1:
0x0: {  	(tag) =	ssettag $0x1  }
0x1: {  	s0 =	rddreg [dreg:$0x0]  }
0x2: {  	s1 =	rddreg [dreg:$0x1];
	s3 =	srdreg.scid;
	s2 =	simm.s32 $0x0  }
0x3: {  	s10 =	stileid.u32;
	s24 =	simm.s32 $0x4200;
	s28 =	simm.s32 $0x1  }
0x4: {  	s29 =	simm.s32 $0x4100;
	s30 =	simm.s32 $0x6A00;
	s31 =	simm.s32 $0x0  }
0x5: {  	s3 =	sand.u32 $0x1, s3;
	[smem:$0x7FF] =	sst s2;
	s9 =	smul.u32 $0x50000, s10  }
0x6: {  	s4 =	sadd.s32 $0x13000, s0;
	s8 =	sshll.u32 s10, $0xC;
	s14 =	smul.u32 $0x14000, s10  }
0x7: {  	s5 =	sshll.u32 s3, $0xB;
	_ =	strace $0x8000004A;
	s6 =	ssub.s32 $0x2, s3  }
0x8: {  	s3 =	smul.u32 $0x140000, s3;
	s5 =	sadd.s32 s5, s0;
	s0 =	sadd.s32 $0x3B000, s0  }
0x9: {  	s7 =	sshrl.u32 s6, $0x1;
	s25 =	sshrl.u32 s9, $0x2;
	s15 =	sor.u32 $0x2800, s14  }
0xa: {  	s17 =	sadd.s32 $0x5000, s14;
	s18 =	sadd.s32 $0x7800, s14;
	s19 =	sadd.s32 $0xA000, s14  }
0xb: {  	s20 =	sadd.s32 $0xC800, s14;
	s21 =	sadd.s32 $0xF000, s14;
	s22 =	sadd.s32 $0x11800, s14  }
0xc: {  	s7 =	ssub.s32 s6, s7;
	s5 =	sadd.s32 s8, s5;
	s6 =	sadd.s32 s25, s1  }
0xd: {  	s8 =	sadd.s32 s15, s1;
	s9 =	sadd.s32 s17, s1;
	s10 =	sadd.s32 s18, s1  }
0xe: {  	s11 =	sadd.s32 s19, s1;
	s12 =	sadd.s32 s20, s1;
	s13 =	sadd.s32 s21, s1  }
0xf: {  	s16 =	sadd.s32 s3, s14;
	s23 =	sadd.s32 s3, s15;
	s14 =	sadd.s32 s22, s1  }
0x10: {  	s17 =	sadd.s32 s3, s17;
	s18 =	sadd.s32 s3, s18;
	s19 =	sadd.s32 s3, s19  }
0x11: {  	s20 =	sadd.s32 s3, s20;
	s21 =	sadd.s32 s3, s21;
	s3 =	sadd.s32 s3, s22  }
0x12: {  	s25 =	simm.s32 $0x50;
	s5 =	sadd.s32 $0x3000, s5;
	s7 =	smax.u32 s7, $0x1  }
0x13: {  	s16 =	sshrl.u32 s16, $0x3;
	s26 =	sshrl.u32 s23, $0x3;
	s17 =	sshrl.u32 s17, $0x3  }
0x14: {  	s18 =	sshrl.u32 s18, $0x3;
	s19 =	sshrl.u32 s19, $0x3;
	s20 =	sshrl.u32 s20, $0x3  }
0x15: {  	s21 =	sshrl.u32 s21, $0x3;
	s3 =	sshrl.u32 s3, $0x3;
	s23 =	simm.s32 $0x2  }
0x16: {  	s15 =	sadd.s32 s0, s16;
	s16 =	sadd.s32 s0, s26;
	s17 =	sadd.s32 s0, s17  }
0x17: {  	s18 =	sadd.s32 s0, s18;
	s19 =	sadd.s32 s0, s19;
	s20 =	sadd.s32 s0, s20  }
0x18: {  	v0 =	vimm.f32 $0.0e+00;
	s21 =	sadd.s32 s0, s21;
	s22 =	sadd.s32 s0, s3;
	s26 =	simm.s32 $0x4000  }
.LBB2_1:
0x19: {  	[tilespmem:s2], [sflag:$0x2] =	stream.linear.gather [hbm4b:s5+s2], $0x3E80, $0x38;
	[tilespmem:$0x1D200] =	vst v63  }
0x1a: {  	_ =	swait.ge [sflag:s23], $0x3E80  }
0x1b: {  	[sflag:s23] =	ssyncset.done $0x0  }
0x1c: {  	s0 =	simm.s32 $0x0;
	s3 =	simm.s32 $0x200;
	[sflag:s23] =	ssyncadd.s32 $0xFFFFC180  }
.LBB2_2:
0x1d: {  	p0 =	sne.s32 s3, $0x9E00;
	[tilespmem:s0+$0x4270] =	vst v0  }
0x1e: {  	[tilespmem:s0+$0x4200] =	vst v0  }
0x1f: {  	[tilespmem:s0+$0x4210] =	vst v0  }
.Ltmp0:
0x20: {  	[tilespmem:s0+$0x4220] =	vst v0;
	(pc) =	sbr.rel @p0 .LBB2_2-.Ltmp0, $4  }
0x21: {  	[tilespmem:s0+$0x4230] =	vst v0  }
0x22: {  	[tilespmem:s0+$0x4240] =	vst v0  }
0x23: {  	[tilespmem:s0+$0x4250] =	vst v0  }
0x24: {  	[tilespmem:s0+$0x4260] =	vst v0;
	s0 =	sshra.s32 s3, $0x2;
	s3 =	sadd.s32 $0x200, s3  }
0x25: {  	[tilespmem:s0+$0x4270] =	vst v0  }
0x26: {  	[tilespmem:s0+$0x4200] =	vst v0  }
0x27: {  	[tilespmem:s0+$0x4210] =	vst v0  }
0x28: {  	[tilespmem:s0+$0x4220] =	vst v0  }
0x29: {  	[tilespmem:s0+$0x4230] =	vst v0  }
0x2a: {  	[tilespmem:s0+$0x4240] =	vst v0  }
0x2b: {  	[tilespmem:s0+$0x4250] =	vst v0  }
0x2c: {  	[tilespmem:s0+$0x4260] =	vst v0  }
0x2d: {  	[spmem:s6] =	stream.linear.scatter [tilespmem:s24], [sflag:$0x2], $0x2800, $0x38;
	[tilespmem:$0x1D200] =	vst v63  }
0x2e: {  	_ =	swait.ge [sflag:s23], $0x2800  }
0x2f: {  	[sflag:s23] =	ssyncset.done $0x0  }
0x30: {  	[sflag:s23] =	ssyncadd.s32 $0xFFFFD800  }
0x31: {  	[spmem:s8] =	stream.linear.scatter [tilespmem:s24], [sflag:$0x2], $0x2800, $0x38;
	[tilespmem:$0x1D200] =	vst v63  }
0x32: {  	_ =	swait.ge [sflag:s23], $0x2800  }
0x33: {  	[sflag:s23] =	ssyncset.done $0x0  }
0x34: {  	[sflag:s23] =	ssyncadd.s32 $0xFFFFD800  }
0x35: {  	[spmem:s9] =	stream.linear.scatter [tilespmem:s24], [sflag:$0x2], $0x2800, $0x38;
	[tilespmem:$0x1D200] =	vst v63  }
0x36: {  	_ =	swait.ge [sflag:s23], $0x2800  }
0x37: {  	[sflag:s23] =	ssyncset.done $0x0  }
0x38: {  	[sflag:s23] =	ssyncadd.s32 $0xFFFFD800  }
0x39: {  	[spmem:s10] =	stream.linear.scatter [tilespmem:s24], [sflag:$0x2], $0x2800, $0x38;
	[tilespmem:$0x1D200] =	vst v63  }
0x3a: {  	_ =	swait.ge [sflag:s23], $0x2800  }
0x3b: {  	[sflag:s23] =	ssyncset.done $0x0  }
0x3c: {  	[sflag:s23] =	ssyncadd.s32 $0xFFFFD800  }
0x3d: {  	[spmem:s11] =	stream.linear.scatter [tilespmem:s24], [sflag:$0x2], $0x2800, $0x38;
	[tilespmem:$0x1D200] =	vst v63  }
0x3e: {  	_ =	swait.ge [sflag:s23], $0x2800  }
0x3f: {  	[sflag:s23] =	ssyncset.done $0x0  }
0x40: {  	[sflag:s23] =	ssyncadd.s32 $0xFFFFD800  }
0x41: {  	[spmem:s12] =	stream.linear.scatter [tilespmem:s24], [sflag:$0x2], $0x2800, $0x38;
	[tilespmem:$0x1D200] =	vst v63  }
0x42: {  	_ =	swait.ge [sflag:s23], $0x2800  }
0x43: {  	[sflag:s23] =	ssyncset.done $0x0  }
0x44: {  	[sflag:s23] =	ssyncadd.s32 $0xFFFFD800  }
0x45: {  	[spmem:s13] =	stream.linear.scatter [tilespmem:s24], [sflag:$0x2], $0x2800, $0x38;
	[tilespmem:$0x1D200] =	vst v63  }
0x46: {  	_ =	swait.ge [sflag:s23], $0x2800  }
0x47: {  	[sflag:s23] =	ssyncset.done $0x0  }
0x48: {  	[sflag:s23] =	ssyncadd.s32 $0xFFFFD800  }
0x49: {  	[spmem:s14] =	stream.linear.scatter [tilespmem:s24], [sflag:$0x2], $0x2800, $0x38;
	[tilespmem:$0x1D200] =	vst v63  }
0x4a: {  	_ =	swait.ge [sflag:s23], $0x2800  }
0x4b: {  	[sflag:s23] =	ssyncset.done $0x0  }
0x4c: {  	[sflag:s23] =	ssyncadd.s32 $0xFFFFD800  }
0x4d: {  	s3 =	simm.s32 $0x0;
	[bflag:$0x0] =	sbarrier.arrive $0xFFFF  }
0x4e: {  	v1 =	vld [tilespmem:s3+$0x0];
	_ =	sdelay $0x4  }
0x4f: {  	v2 =	vand.u32 $0xFFFF, v1  }
0x50: {  	v1 =	vshra.s32 v1, $0x10;
	[tilespmem:$0x4000] =	vst v2  }
0x51: {  	[tilespmem:$0x4100] =	vst v1  }
0x52: {  	v1 =	vld [tilespmem:s3+$0x10];
	_ =	sdelay $0x4  }
0x53: {  	v2 =	vand.u32 $0xFFFF, v1  }
0x54: {  	v1 =	vshra.s32 v1, $0x10;
	[tilespmem:$0x4010] =	vst v2  }
0x55: {  	[tilespmem:$0x4110] =	vst v1  }
0x56: {  	v1 =	vld [tilespmem:s3+$0x20];
	_ =	sdelay $0x4  }
0x57: {  	v2 =	vand.u32 $0xFFFF, v1  }
0x58: {  	v1 =	vshra.s32 v1, $0x10;
	[tilespmem:$0x4020] =	vst v2  }
0x59: {  	[tilespmem:$0x4120] =	vst v1  }
0x5a: {  	v1 =	vld [tilespmem:s3+$0x30];
	_ =	sdelay $0x4  }
0x5b: {  	v2 =	vand.u32 $0xFFFF, v1  }
0x5c: {  	v1 =	vshra.s32 v1, $0x10;
	[tilespmem:$0x4030] =	vst v2  }
0x5d: {  	[tilespmem:$0x4130] =	vst v1  }
0x5e: {  	v1 =	vld [tilespmem:s3+$0x40];
	_ =	sdelay $0x4  }
0x5f: {  	v2 =	vand.u32 $0xFFFF, v1  }
0x60: {  	v1 =	vshra.s32 v1, $0x10;
	[tilespmem:$0x4040] =	vst v2  }
0x61: {  	[tilespmem:$0x4140] =	vst v1  }
0x62: {  	[tilespmem:s24], [sflag:$0x1] =	stream.indirect.gather [hbm4b:s4+s25], $0x80, s26, s25, $0xb8;
	[tilespmem:$0x1D200] =	vst v63  }
0x63: {  	s0 =	simm.s32 $0x200;
	_ =	swait.ge [sflag:s28], $0x2800  }
.LBB2_4:
0x64: {  	p0 =	sne.s32 s0, $0xF800  }
0x65: {  	[sflag:s28] =	ssyncset.done $0x0;
	s3 =	smov.u32 s0;
	s0 =	sadd.s32 $0x200, s0  }
0x66: {  	[sflag:s28] =	ssyncadd.s32 $0xFFFFD800  }
0x67: {  	[spmem:s1] =	stream.indirect.scatter.add.f32 [tilespmem:s24], [sflag:$0x2], $0x80, s29, s25, $0xb8;
	[tilespmem:$0x1D200] =	vst v63  }
0x68: {  	_ =	swait.ge [sflag:s23], $0x2800  }
0x69: {  	[sflag:s23] =	ssyncset.done $0x0  }
0x6a: {  	s3 =	sshra.s32 s3, $0x2;
	[sflag:s23] =	ssyncadd.s32 $0xFFFFD800  }
0x6b: {  	v1 =	vld [tilespmem:s3+$0x0];
	_ =	sdelay $0x4  }
0x6c: {  	v2 =	vand.u32 $0xFFFF, v1;
	v1 =	vshra.s32 v1, $0x10  }
0x6d: {  	[tilespmem:$0x4000] =	vst v2  }
0x6e: {  	[tilespmem:$0x4100] =	vst v1  }
0x6f: {  	v1 =	vld [tilespmem:s3+$0x10];
	_ =	sdelay $0x4  }
0x70: {  	v2 =	vand.u32 $0xFFFF, v1;
	v1 =	vshra.s32 v1, $0x10  }
0x71: {  	[tilespmem:$0x4010] =	vst v2  }
0x72: {  	[tilespmem:$0x4110] =	vst v1  }
0x73: {  	v1 =	vld [tilespmem:s3+$0x20];
	_ =	sdelay $0x4  }
0x74: {  	v2 =	vand.u32 $0xFFFF, v1;
	v1 =	vshra.s32 v1, $0x10  }
0x75: {  	[tilespmem:$0x4020] =	vst v2  }
0x76: {  	[tilespmem:$0x4120] =	vst v1  }
0x77: {  	v1 =	vld [tilespmem:s3+$0x30];
	_ =	sdelay $0x4  }
0x78: {  	v2 =	vand.u32 $0xFFFF, v1;
	v1 =	vshra.s32 v1, $0x10  }
0x79: {  	[tilespmem:$0x4030] =	vst v2  }
0x7a: {  	[tilespmem:$0x4130] =	vst v1  }
0x7b: {  	v1 =	vld [tilespmem:s3+$0x40];
	_ =	sdelay $0x4  }
.Ltmp1:
0x7c: {  	v2 =	vand.u32 $0xFFFF, v1;
	v1 =	vshra.s32 v1, $0x10;
	(pc) =	sbr.rel @p0 .LBB2_4-.Ltmp1, $4  }
0x7d: {  	[tilespmem:$0x4040] =	vst v2  }
0x7e: {  	[tilespmem:$0x4140] =	vst v1  }
0x7f: {  	[tilespmem:s24], [sflag:$0x1] =	stream.indirect.gather [hbm4b:s4+s25], $0x80, s26, s25, $0xb8;
	[tilespmem:$0x1D200] =	vst v63  }
0x80: {  	_ =	swait.ge [sflag:s28], $0x2800  }
0x81: {  	[sflag:s28] =	ssyncset.done $0x0  }
0x82: {  	[sflag:s28] =	ssyncadd.s32 $0xFFFFD800  }
0x83: {  	[spmem:s1] =	stream.indirect.scatter.add.f32 [tilespmem:s24], [sflag:$0x2], $0x80, s29, s25, $0xb8;
	[tilespmem:$0x1D200] =	vst v63  }
0x84: {  	_ =	swait.ge [sflag:s23], $0x2800  }
0x85: {  	[sflag:s23] =	ssyncset.done $0x0  }
0x86: {  	[sflag:s23] =	ssyncadd.s32 $0xFFFFD800  }
0x87: {  	[bflag:$0x0] =	sbarrier.arrive $0xFFFF  }
0x88: {  	[tilespmem:s30], [sflag:$0x2] =	stream.linear.gather [spmem:s6], $0x2800, $0x38;
	[tilespmem:$0x1D200] =	vst v63  }
0x89: {  	_ =	swait.ge [sflag:s23], $0x2800  }
0x8a: {  	[sflag:s23] =	ssyncset.done $0x0  }
0x8b: {  	[sflag:s23] =	ssyncadd.s32 $0xFFFFD800  }
0x8c: {  	[hbm4b:s15+s2] =	stream.linear.scatter [tilespmem:s30], [sflag:$0x2], $0x2800, $0x38;
	[tilespmem:$0x1D200] =	vst v63  }
0x8d: {  	_ =	swait.ge [sflag:s23], $0x2800  }
0x8e: {  	[sflag:s23] =	ssyncset.done $0x0  }
0x8f: {  	[sflag:s23] =	ssyncadd.s32 $0xFFFFD800  }
0x90: {  	[tilespmem:s30], [sflag:$0x2] =	stream.linear.gather [spmem:s8], $0x2800, $0x38;
	[tilespmem:$0x1D200] =	vst v63  }
0x91: {  	_ =	swait.ge [sflag:s23], $0x2800  }
0x92: {  	[sflag:s23] =	ssyncset.done $0x0  }
0x93: {  	[sflag:s23] =	ssyncadd.s32 $0xFFFFD800  }
0x94: {  	[hbm4b:s16+s2] =	stream.linear.scatter [tilespmem:s30], [sflag:$0x2], $0x2800, $0x38;
	[tilespmem:$0x1D200] =	vst v63  }
0x95: {  	_ =	swait.ge [sflag:s23], $0x2800  }
0x96: {  	[sflag:s23] =	ssyncset.done $0x0  }
0x97: {  	[sflag:s23] =	ssyncadd.s32 $0xFFFFD800  }
0x98: {  	[tilespmem:s30], [sflag:$0x2] =	stream.linear.gather [spmem:s9], $0x2800, $0x38;
	[tilespmem:$0x1D200] =	vst v63  }
0x99: {  	_ =	swait.ge [sflag:s23], $0x2800  }
0x9a: {  	[sflag:s23] =	ssyncset.done $0x0  }
0x9b: {  	[sflag:s23] =	ssyncadd.s32 $0xFFFFD800  }
0x9c: {  	[hbm4b:s17+s2] =	stream.linear.scatter [tilespmem:s30], [sflag:$0x2], $0x2800, $0x38;
	[tilespmem:$0x1D200] =	vst v63  }
0x9d: {  	_ =	swait.ge [sflag:s23], $0x2800  }
0x9e: {  	[sflag:s23] =	ssyncset.done $0x0  }
0x9f: {  	[sflag:s23] =	ssyncadd.s32 $0xFFFFD800  }
0xa0: {  	[tilespmem:s30], [sflag:$0x2] =	stream.linear.gather [spmem:s10], $0x2800, $0x38;
	[tilespmem:$0x1D200] =	vst v63  }
0xa1: {  	_ =	swait.ge [sflag:s23], $0x2800  }
0xa2: {  	[sflag:s23] =	ssyncset.done $0x0  }
0xa3: {  	[sflag:s23] =	ssyncadd.s32 $0xFFFFD800  }
0xa4: {  	[hbm4b:s18+s2] =	stream.linear.scatter [tilespmem:s30], [sflag:$0x2], $0x2800, $0x38;
	[tilespmem:$0x1D200] =	vst v63  }
0xa5: {  	_ =	swait.ge [sflag:s23], $0x2800  }
0xa6: {  	[sflag:s23] =	ssyncset.done $0x0  }
0xa7: {  	[sflag:s23] =	ssyncadd.s32 $0xFFFFD800  }
0xa8: {  	[tilespmem:s30], [sflag:$0x2] =	stream.linear.gather [spmem:s11], $0x2800, $0x38;
	[tilespmem:$0x1D200] =	vst v63  }
0xa9: {  	_ =	swait.ge [sflag:s23], $0x2800  }
0xaa: {  	[sflag:s23] =	ssyncset.done $0x0  }
0xab: {  	[sflag:s23] =	ssyncadd.s32 $0xFFFFD800  }
0xac: {  	[hbm4b:s19+s2] =	stream.linear.scatter [tilespmem:s30], [sflag:$0x2], $0x2800, $0x38;
	[tilespmem:$0x1D200] =	vst v63  }
0xad: {  	_ =	swait.ge [sflag:s23], $0x2800  }
0xae: {  	[sflag:s23] =	ssyncset.done $0x0  }
0xaf: {  	[sflag:s23] =	ssyncadd.s32 $0xFFFFD800  }
0xb0: {  	[tilespmem:s30], [sflag:$0x2] =	stream.linear.gather [spmem:s12], $0x2800, $0x38;
	[tilespmem:$0x1D200] =	vst v63  }
0xb1: {  	_ =	swait.ge [sflag:s23], $0x2800  }
0xb2: {  	[sflag:s23] =	ssyncset.done $0x0  }
0xb3: {  	[sflag:s23] =	ssyncadd.s32 $0xFFFFD800  }
0xb4: {  	[hbm4b:s20+s2] =	stream.linear.scatter [tilespmem:s30], [sflag:$0x2], $0x2800, $0x38;
	[tilespmem:$0x1D200] =	vst v63  }
0xb5: {  	_ =	swait.ge [sflag:s23], $0x2800  }
0xb6: {  	[sflag:s23] =	ssyncset.done $0x0  }
0xb7: {  	[sflag:s23] =	ssyncadd.s32 $0xFFFFD800  }
0xb8: {  	[tilespmem:s30], [sflag:$0x2] =	stream.linear.gather [spmem:s13], $0x2800, $0x38;
	[tilespmem:$0x1D200] =	vst v63  }
0xb9: {  	_ =	swait.ge [sflag:s23], $0x2800  }
0xba: {  	[sflag:s23] =	ssyncset.done $0x0  }
0xbb: {  	[sflag:s23] =	ssyncadd.s32 $0xFFFFD800  }
0xbc: {  	[hbm4b:s21+s2] =	stream.linear.scatter [tilespmem:s30], [sflag:$0x2], $0x2800, $0x38;
	[tilespmem:$0x1D200] =	vst v63  }
0xbd: {  	_ =	swait.ge [sflag:s23], $0x2800  }
0xbe: {  	[sflag:s23] =	ssyncset.done $0x0  }
0xbf: {  	[sflag:s23] =	ssyncadd.s32 $0xFFFFD800  }
0xc0: {  	[tilespmem:s30], [sflag:$0x2] =	stream.linear.gather [spmem:s14], $0x2800, $0x38;
	[tilespmem:$0x1D200] =	vst v63  }
0xc1: {  	s31 =	sadd.s32 $0x1, s31;
	_ =	swait.ge [sflag:s23], $0x2800  }
0xc2: {  	p0 =	sne.s32 s31, s7;
	[sflag:s23] =	ssyncset.done $0x0  }
.Ltmp2:
0xc3: {  	[sflag:s23] =	ssyncadd.s32 $0xFFFFD800;
	(pc) =	sbr.rel @p0 .LBB2_1-.Ltmp2, $4  }
0xc4: {  	[hbm4b:s22+s2] =	stream.linear.scatter [tilespmem:s30], [sflag:$0x2], $0x2800, $0x38;
	[tilespmem:$0x1D200] =	vst v63  }
0xc5: {  	_ =	swait.ge [sflag:s23], $0x2800  }
0xc6: {  	[sflag:s23] =	ssyncset.done $0x0  }
0xc7: {  	[sflag:s23] =	ssyncadd.s32 $0xFFFFD800  }
0xc8: {  	_ =	sfence.sel $0x180000  }
0xc9: {  	[bflag:$0x0] =	sbarrier.arrive $0xFFFF  }
0xca: {  	_ =	strace $0x9000004A  }
0xcb: {  	s0 =	stileid.u32;
	[bflag:$0x2] =	sbarrier.arrive $0xFFFF  }
0xcc: {  	p0 =	sne.s32 s0, $0x0;
	s0 =	rddreg [dreg:$0x2]  }
0xcd: {  	s0 =	sadd.s32 @!p0 $0x100000, s0  }
0xce: {  	[sflag:s0] =	ssyncadd.tile.s32 @!p0 $0x1;
	_ =	shalt  }
.Lfunc_end2:
_tile_overlayer_lowered:
.L_overlay_start_2:
0xcf: {  	(tag) =	ssettag $0x2  }
0xd0: {  	s0 =	rddreg [dreg:$0x0];
	s2 =	stileid.u32  }
0xd1: {  	s1 =	rddreg [dreg:$0x1];
	p0 =	sne.s32 s2, $0x0  }
0xd2: {  	s3 =	rddreg [dreg:$0x2];
	[bflag:$0x3] =	sbarrier.arrive $0xFFFF;
	s2 =	simm.s32 @!p0 $0x1C02  }
0xd3: {  	[timem:s3], [sflag:s2] =	dma.local @!p0 [hbm:s0], s1  }
0xd4: {  	s0 =	simm.s32 @!p0 $0x2  }
0xd5: {  	_ =	swait.ge @!p0 [sflag:s0], s1  }
0xd6: {  	s1 =	ssub.s32 @!p0 $0x0, s1;
	[sflag:s0] =	ssyncset.done @!p0 $0x0  }
0xd7: {  	[sflag:s0] =	ssyncadd.s32 @!p0 s1  }
0xd8: {  	[bflag:$0x3] =	sbarrier.arrive $0xFFFF  }
0xd9: {  	_ =	shalt  }

// kernel: kernel.14.cloned.1.call-start
scs
__scs_entry_jumppad:
0x0: {  	(pc) =	sbr.rel $0x88, $3  }
0x1: {  	(tag) =	ssettag $0x0;
	lr =	simm.s32 $0x1  }
0x2: {  	[smem:$0x3F9B] =	sst lr;
	_ =	strace $0xD0000000  }
0x3: {  	_ = 	snop  }
0x4: {  	_ = 	snop  }
0x5: {  	_ = 	snop  }
0x6: {  	_ = 	snop  }
0x7: {  	_ = 	snop  }
__scs_overlays_trampoline_lowered:
0x8: {  	[smem:$0x3FAA] =	sst s0  }
0x9: {  	[smem:$0x3FAB] =	sst s1  }
0xa: {  	[smem:$0x3FAC] =	sst s2  }
0xb: {  	[smem:$0x3FAD] =	sst s3  }
0xc: {  	[smem:$0x3FAE] =	sst s4  }
0xd: {  	[smem:$0x3FAF] =	sst s5  }
0xe: {  	[smem:$0x3FB0] =	sst s6  }
0xf: {  	[smem:$0x3FB1] =	sst s7  }
0x10: {  	[smem:$0x3FB2] =	sst s8  }
0x11: {  	[smem:$0x3FB3] =	sst s9;
	s0 =	simm.s32 @!p0 $0x0  }
0x12: {  	s1 =	sld [smem:$0x3F99];
	s0 =	simm.s32 @p0 $0x1  }
0x13: {  	[smem:$0x3FB4] =	sst s0;
	s0 =	simm.s32 @!p1 $0x0  }
0x14: {  	s2 =	sld [smem:$0x3F98];
	s0 =	simm.s32 @p1 $0x1  }
0x15: {  	[smem:$0x3FB5] =	sst s0;
	s0 =	simm.s32 @!p2 $0x0  }
0x16: {  	s3 =	sld [smem:$0x3FDB];
	s0 =	simm.s32 @p2 $0x1  }
0x17: {  	s4 =	simm.s32 $0x1BF5;
	[smem:$0x3FB7] =	sst s0  }
0x18: {  	s0 =	sld [smem:$0x3F9A];
	_ =	swait.ge [sflag:s4], $0x0  }
0x19: {  	s7 =	sld [smem:$0x3F9B]  }
0x1a: {  	s8 =	sadd.s32 $0xFFFFE003, lr  }
0x1b: {  	s9 =	sadd.s32 $0xFFFFFEF7, lr;
	s5 =	simm.s32 $0xFFFFFFFF;
	p2 =	slt.u32 s8, $0xFFFFF086  }
0x1c: {  	p1 =	slt.u32 s9, $0xF7A;
	s5 =	simm.s32 @!p2 $0x0  }
0x1d: {  	s5 =	simm.s32 @p1 $0x1;
	p0 =	seq.s32 s7, s2  }
0x1e: {  	s7 =	smul.u32 @!p0 $0xF7A, s2;
	p2 =	seq.s32 @!p0 s5, $0x0  }
0x1f: {  	s9 =	smul.u32 $0xF7A, s1;
	s8 =	simm.s32 @!p0 $0x1BF5;
	p2 =	por !p2, p0  }
0x20: {  	[sflag:s8] =	ssyncset.s32 @!p0 $0xFFFFF086;
	s6 =	sadd.s32 @!p0 s3, s7;
	s7 =	simm.s32 @!p0 $0x108  }
0x21: {  	s3 =	sadd.s32 s3, s9;
	s6 =	sadd.s32 @!p0 $0x88, s6;
	s7 =	simm.s32 @p2 $0x1082  }
0x22: {  	[simem:s7], [sflag:s8] =	dma.local @!p0 [hbm:s6], $0xF7A  }
0x23: {  	s9 =	sor.u32 $0xD0000000, s2;
	s6 =	simm.s32 $0x108;
	_ =	swait.ge @!p0 [sflag:s8], $0x0  }
0x24: {  	s3 =	sadd.s32 $0x88, s3;
	s6 =	simm.s32 @!p1 $0x1082;
	[sflag:s4] =	ssyncset.s32 $0xFFFFF086  }
0x25: {  	[simem:s6], [sflag:s4] =	dma.local [hbm:s3], $0xF7A  }
0x26: {  	[smem:$0x3F9B] =	sst s1;
	(tag) =	ssettag s2;
	_ =	strace s9  }
0x27: {  	s1 =	sld [smem:$0x3FAB]  }
0x28: {  	s2 =	sld [smem:$0x3FAC]  }
0x29: {  	s4 =	sld [smem:$0x3FAE]  }
0x2a: {  	p0 =	seq.s32 s5, $0x0;
	s5 =	sld [smem:$0x3FAF]  }
0x2b: {  	s6 =	sld [smem:$0x3FB0]  }
0x2c: {  	s7 =	sld [smem:$0x3FB1]  }
0x2d: {  	s3 =	simm.s32 $0x108;
	s8 =	sld [smem:$0x3FB2]  }
0x2e: {  	s3 =	simm.s32 @!p0 $0x1082;
	s9 =	sld [smem:$0x3FB3]  }
0x2f: {  	lr =	sadd.s32 s0, s3;
	s0 =	sld [smem:$0x3FAA]  }
0x30: {  	s3 =	sld [smem:$0x3FAD]  }
0x31: {  	[smem:$0x3FB6] =	sst s10  }
0x32: {  	s10 =	sld [smem:$0x3FB4];
	_ =	sdelay $0x3  }
0x33: {  	p0 =	seq.s32 s10, $0x1;
	s10 =	sld [smem:$0x3FB6];
	_ =	sdelay $0x3  }
0x34: {  	[smem:$0x3FB6] =	sst s10  }
0x35: {  	s10 =	sld [smem:$0x3FB5];
	_ =	sdelay $0x3  }
0x36: {  	p1 =	seq.s32 s10, $0x1;
	s10 =	sld [smem:$0x3FB6];
	_ =	sdelay $0x3  }
0x37: {  	[smem:$0x3FB6] =	sst s10  }
0x38: {  	s10 =	sld [smem:$0x3FB7]  }
0x39: {  	_ = 	snop;
	(pc) =	sbr.ind lr, $3  }
0x3a: {  	_ = 	snop  }
0x3b: {  	_ = 	snop  }
0x3c: {  	p2 =	seq.s32 s10, $0x1;
	s10 =	sld [smem:$0x3FB6]  }
0x3d: {  	_ =	shalt  }
0x3e: {  	_ =	shalt  }
0x3f: {  	_ =	shalt  }
0x40: {  	_ =	shalt  }
0x41: {  	_ =	shalt  }
0x42: {  	_ =	shalt  }
0x43: {  	_ =	shalt  }
0x44: {  	_ =	shalt  }
0x45: {  	_ =	shalt  }
0x46: {  	_ =	shalt  }
0x47: {  	_ =	shalt  }
0x48: {  	_ =	shalt  }
0x49: {  	_ =	shalt  }
0x4a: {  	_ =	shalt  }
0x4b: {  	_ =	shalt  }
0x4c: {  	_ =	shalt  }
0x4d: {  	_ =	shalt  }
0x4e: {  	_ =	shalt  }
0x4f: {  	_ =	shalt  }
0x50: {  	_ =	shalt  }
0x51: {  	_ =	shalt  }
0x52: {  	_ =	shalt  }
0x53: {  	_ =	shalt  }
0x54: {  	_ =	shalt  }
0x55: {  	_ =	shalt  }
0x56: {  	_ =	shalt  }
0x57: {  	_ =	shalt  }
0x58: {  	_ =	shalt  }
0x59: {  	_ =	shalt  }
0x5a: {  	_ =	shalt  }
0x5b: {  	_ =	shalt  }
0x5c: {  	_ =	shalt  }
0x5d: {  	_ =	shalt  }
0x5e: {  	_ =	shalt  }
0x5f: {  	_ =	shalt  }
0x60: {  	_ =	shalt  }
0x61: {  	_ =	shalt  }
0x62: {  	_ =	shalt  }
0x63: {  	_ =	shalt  }
0x64: {  	_ =	shalt  }
0x65: {  	_ =	shalt  }
0x66: {  	_ =	shalt  }
0x67: {  	_ =	shalt  }
0x68: {  	_ =	shalt  }
0x69: {  	_ =	shalt  }
0x6a: {  	_ =	shalt  }
0x6b: {  	_ =	shalt  }
0x6c: {  	_ =	shalt  }
0x6d: {  	_ =	shalt  }
0x6e: {  	_ =	shalt  }
0x6f: {  	_ =	shalt  }
0x70: {  	_ =	shalt  }
0x71: {  	_ =	shalt  }
0x72: {  	_ =	shalt  }
0x73: {  	_ =	shalt  }
0x74: {  	_ =	shalt  }
0x75: {  	_ =	shalt  }
0x76: {  	_ =	shalt  }
0x77: {  	_ =	shalt  }
0x78: {  	_ =	shalt  }
0x79: {  	_ =	shalt  }
0x7a: {  	_ =	shalt  }
0x7b: {  	_ =	shalt  }
0x7c: {  	_ =	shalt  }
0x7d: {  	_ =	shalt  }
0x7e: {  	_ =	shalt  }
0x7f: {  	_ =	shalt  }
0x80: {  	_ =	shalt  }
0x81: {  	_ =	shalt  }
0x82: {  	_ =	shalt  }
0x83: {  	_ =	shalt  }
0x84: {  	_ =	shalt  }
0x85: {  	_ =	shalt  }
0x86: {  	_ =	shalt  }
0x87: {  	_ =	shalt  }
.Lfunc_end0:
.L_simem_size_0:
called_computation.2_lowered:
.L_overlay_start_0:
0x88: {  	s2 =	sld [smem:$0x3FD9]  }
0x89: {  	s3 =	sld [smem:$0x3FFE];
	_ =	sdelay $0x1  }
0x8a: {  	s1 =	srdreg.scid  }
0x8b: {  	s0 =	sand.u32 $0x1, s1  }
0x8c: {  	s16 =	sshll.u32 s0, $0xA;
	s2 =	sadd.s32 s3, s2  }
0x8d: {  	s2 =	sadd.s32 s2, s16  }
0x8e: {  	[smem:$0x3FC2] =	sst s2  }
0x8f: {  	_ = 	snop  }
0x90: {  	(tm) =	ssettm $0x1  }
0x91: {  	s17 =	sld [smem:$0x3FFB];
	_ =	sdelay $0x3  }
0x92: {  	_ =	strace s17  }
0x93: {  	s2 =	sld [smem:$0x3FFC];
	_ =	sdelay $0x3  }
0x94: {  	_ =	strace s2  }
0x95: {  	s2 =	sld [smem:$0x3FFD];
	_ =	sdelay $0x3  }
0x96: {  	_ =	strace s2  }
0x97: {  	_ =	strace $0x8FFFFFFF  }
0x98: {  	s18 =	sld [smem:$0x3FDB];
	_ =	sdelay $0x1  }
0x99: {  	s19 =	simm.s32 $_scs_section_size  }
0x9a: {  	s4 =	simm.s32 $_size__tile_overlayer_lowered;
	s5 =	simm.s32 $_tile_overlayer_lowered  }
0x9b: {  	s22 =	simm.s32 $0x1BFF;
	s21 =	sshll.u32 s5, $0x1;
	s2 =	sadd.s32 s19, s18  }
0x9c: {  	s6 =	simm.s32 $0x0;
	s20 =	sshll.u32 s4, $0x1;
	s4 =	sadd.s32 s21, s2  }
0x9d: {  	[timem:s6], [sflag:s22] =	dma.local [hbm:s4], s20  }
0x9e: {  	_ =	swait.ge [sflag:s22], s20  }
0x9f: {  	s3 =	ssub.s32 $0x0, s20;
	[sflag:s22] =	ssyncset.done $0x0  }
0xa0: {  	[sflag:s22] =	ssyncadd.s32 s3;
	_ =	sdelay $0x1  }
0xa1: {  	s23 =	simm.s32 $0x1B8B  }
0xa2: {  	_ =	swait.ge [sflag:s23], $0x1  }
0xa3: {  	[sflag:s23] =	ssyncset.done $0x0  }
0xa4: {  	s25 =	simm.s32 $0x1B8E;
	s24 =	sld [smem:$0x3FFE];
	[sflag:s23] =	ssyncadd.s32 $0xFFFFFFFF  }
0xa5: {  	s26 =	simm.s32 $execute0_lowered;
	[smem:$0x3FD2] =	sst s25  }
0xa6: {  	s4 =	sshll.u32 s26, $0x1;
	_ =	strace $0x8000004C;
	[dreg:$0x1] =	wrdreg $0xFFFFFFFF  }
0xa7: {  	s28 =	simm.s32 $_size_execute0_lowered;
	s2 =	sadd.s32 s2, s4;
	[dreg:$0x0] =	wrdreg $0x0  }
0xa8: {  	s4 =	sshll.u32 s28, $0x1;
	[dreg:$0x2] =	wrdreg s2  }
0xa9: {  	[dreg:$0x3] =	wrdreg s4  }
0xaa: {  	[dreg:$0x4] =	wrdreg $0xC0  }
0xab: {  	_ =	task [dreg:s6], $0x5FFFF  }
0xac: {  	[dreg:$0x1] =	wrdreg $0xFFFFFFFF  }
0xad: {  	[dreg:$0x0] =	wrdreg $0x60  }
0xae: {  	[dreg:$0x2] =	wrdreg s24  }
0xaf: {  	[dreg:$0x3] =	wrdreg $0x92000  }
0xb0: {  	[dreg:$0x4] =	wrdreg $0x9  }
0xb1: {  	_ =	task.clear_ibuf [dreg:s6], $0x5FFFF;
	_ =	strace $0x9000004C  }
0xb2: {  	s29 =	simm.s32 $0x9;
	_ =	strace $0x8000004E  }
0xb3: {  	_ =	swait.ge [sflag:s29], $0x1  }
0xb4: {  	[sflag:s29] =	ssyncadd.s32 $0xFFFFFFFF  }
0xb5: {  	_ =	strace $0x9000004E  }
0xb6: {  	_ =	sfence  }
0xb7: {  	s30 =	sld [smem:$0x0];
	_ =	sdelay $0x2  }
0xb8: {  	s31 =	sshll.u32 s1, $0xD;
	s1 =	sshrl.u32 s1, $0x2  }
0xb9: {  	s3 =	sand.u32 $0x4000, s31;
	s1 =	sadd.s32 s1, s30  }
0xba: {  	s0 =	sor.u32 s3, s0;
	s1 =	sshll.u32 s1, $0x11  }
0xbb: {  	s0 =	sor.u32 s1, s0  }
0xbc: {  	s0 =	sadd.s32 $0x8F2B, s0  }
0xbd: {  	[sflag:s0] =	ssyncadd.remote.s32 $0x1  }
0xbe: {  	_ =	sfence.sel $0xFFFF  }
0xbf: {  	[dreg:$0x0] =	wrdreg $0xFFFFFFFF;
	(pc) =	sbr.abs _section_cstart, $3  }
0xc0: {  	[dreg:$0x1] =	wrdreg $0xFFFFFFFF  }
0xc1: {  	_ =	task.clear_ibuf [dreg:s6], $0x2FFFF;
	_ =	strace $0x9FFFFFFF  }
0xc2: {  	(tm) =	ssettm $0x7FFFFFFF  }
0xc3: {  	_ =	shalt  }
tec
execute0_lowered:
.L_overlay_start_1:
0x0: {  	(tag) =	ssettag $0x1  }
0x1: {  	s0 =	rddreg [dreg:$0x0]  }
0x2: {  	s1 =	rddreg [dreg:$0x1];
	s3 =	srdreg.scid;
	s2 =	simm.s32 $0x0  }
0x3: {  	s10 =	stileid.u32;
	s24 =	simm.s32 $0x4200;
	s28 =	simm.s32 $0x1  }
0x4: {  	s29 =	simm.s32 $0x4100;
	s30 =	simm.s32 $0x6A00;
	s31 =	simm.s32 $0x0  }
0x5: {  	s3 =	sand.u32 $0x1, s3;
	[smem:$0x7FF] =	sst s2;
	s9 =	smul.u32 $0x50000, s10  }
0x6: {  	s4 =	sadd.s32 $0x13000, s0;
	s8 =	sshll.u32 s10, $0xC;
	s14 =	smul.u32 $0x14000, s10  }
0x7: {  	s5 =	sshll.u32 s3, $0xB;
	_ =	strace $0x8000004D;
	s6 =	ssub.s32 $0x2, s3  }
0x8: {  	s3 =	smul.u32 $0x140000, s3;
	s5 =	sadd.s32 s5, s0;
	s0 =	sadd.s32 $0x3B000, s0  }
0x9: {  	s7 =	sshrl.u32 s6, $0x1;
	s25 =	sshrl.u32 s9, $0x2;
	s15 =	sor.u32 $0x2800, s14  }
0xa: {  	s17 =	sadd.s32 $0x5000, s14;
	s18 =	sadd.s32 $0x7800, s14;
	s19 =	sadd.s32 $0xA000, s14  }
0xb: {  	s20 =	sadd.s32 $0xC800, s14;
	s21 =	sadd.s32 $0xF000, s14;
	s22 =	sadd.s32 $0x11800, s14  }
0xc: {  	s7 =	ssub.s32 s6, s7;
	s5 =	sadd.s32 s8, s5;
	s6 =	sadd.s32 s25, s1  }
0xd: {  	s8 =	sadd.s32 s15, s1;
	s9 =	sadd.s32 s17, s1;
	s10 =	sadd.s32 s18, s1  }
0xe: {  	s11 =	sadd.s32 s19, s1;
	s12 =	sadd.s32 s20, s1;
	s13 =	sadd.s32 s21, s1  }
0xf: {  	s16 =	sadd.s32 s3, s14;
	s23 =	sadd.s32 s3, s15;
	s14 =	sadd.s32 s22, s1  }
0x10: {  	s17 =	sadd.s32 s3, s17;
	s18 =	sadd.s32 s3, s18;
	s19 =	sadd.s32 s3, s19  }
0x11: {  	s20 =	sadd.s32 s3, s20;
	s21 =	sadd.s32 s3, s21;
	s3 =	sadd.s32 s3, s22  }
0x12: {  	s25 =	simm.s32 $0x50;
	s5 =	sadd.s32 $0x3000, s5;
	s7 =	smax.u32 s7, $0x1  }
0x13: {  	s16 =	sshrl.u32 s16, $0x3;
	s26 =	sshrl.u32 s23, $0x3;
	s17 =	sshrl.u32 s17, $0x3  }
0x14: {  	s18 =	sshrl.u32 s18, $0x3;
	s19 =	sshrl.u32 s19, $0x3;
	s20 =	sshrl.u32 s20, $0x3  }
0x15: {  	s21 =	sshrl.u32 s21, $0x3;
	s3 =	sshrl.u32 s3, $0x3;
	s23 =	simm.s32 $0x2  }
0x16: {  	s15 =	sadd.s32 s0, s16;
	s16 =	sadd.s32 s0, s26;
	s17 =	sadd.s32 s0, s17  }
0x17: {  	s18 =	sadd.s32 s0, s18;
	s19 =	sadd.s32 s0, s19;
	s20 =	sadd.s32 s0, s20  }
0x18: {  	v0 =	vimm.f32 $0.0e+00;
	s21 =	sadd.s32 s0, s21;
	s22 =	sadd.s32 s0, s3;
	s26 =	simm.s32 $0x4000  }
.LBB2_1:
0x19: {  	[tilespmem:s2], [sflag:$0x2] =	stream.linear.gather [hbm4b:s5+s2], $0x3E80, $0x38;
	[tilespmem:$0x1D200] =	vst v63  }
0x1a: {  	_ =	swait.ge [sflag:s23], $0x3E80  }
0x1b: {  	[sflag:s23] =	ssyncset.done $0x0  }
0x1c: {  	s0 =	simm.s32 $0x0;
	s3 =	simm.s32 $0x200;
	[sflag:s23] =	ssyncadd.s32 $0xFFFFC180  }
.LBB2_2:
0x1d: {  	p0 =	sne.s32 s3, $0x9E00;
	[tilespmem:s0+$0x4270] =	vst v0  }
0x1e: {  	[tilespmem:s0+$0x4200] =	vst v0  }
0x1f: {  	[tilespmem:s0+$0x4210] =	vst v0  }
.Ltmp0:
0x20: {  	[tilespmem:s0+$0x4220] =	vst v0;
	(pc) =	sbr.rel @p0 .LBB2_2-.Ltmp0, $4  }
0x21: {  	[tilespmem:s0+$0x4230] =	vst v0  }
0x22: {  	[tilespmem:s0+$0x4240] =	vst v0  }
0x23: {  	[tilespmem:s0+$0x4250] =	vst v0  }
0x24: {  	[tilespmem:s0+$0x4260] =	vst v0;
	s0 =	sshra.s32 s3, $0x2;
	s3 =	sadd.s32 $0x200, s3  }
0x25: {  	[tilespmem:s0+$0x4270] =	vst v0  }
0x26: {  	[tilespmem:s0+$0x4200] =	vst v0  }
0x27: {  	[tilespmem:s0+$0x4210] =	vst v0  }
0x28: {  	[tilespmem:s0+$0x4220] =	vst v0  }
0x29: {  	[tilespmem:s0+$0x4230] =	vst v0  }
0x2a: {  	[tilespmem:s0+$0x4240] =	vst v0  }
0x2b: {  	[tilespmem:s0+$0x4250] =	vst v0  }
0x2c: {  	[tilespmem:s0+$0x4260] =	vst v0  }
0x2d: {  	[spmem:s6] =	stream.linear.scatter [tilespmem:s24], [sflag:$0x2], $0x2800, $0x38;
	[tilespmem:$0x1D200] =	vst v63  }
0x2e: {  	_ =	swait.ge [sflag:s23], $0x2800  }
0x2f: {  	[sflag:s23] =	ssyncset.done $0x0  }
0x30: {  	[sflag:s23] =	ssyncadd.s32 $0xFFFFD800  }
0x31: {  	[spmem:s8] =	stream.linear.scatter [tilespmem:s24], [sflag:$0x2], $0x2800, $0x38;
	[tilespmem:$0x1D200] =	vst v63  }
0x32: {  	_ =	swait.ge [sflag:s23], $0x2800  }
0x33: {  	[sflag:s23] =	ssyncset.done $0x0  }
0x34: {  	[sflag:s23] =	ssyncadd.s32 $0xFFFFD800  }
0x35: {  	[spmem:s9] =	stream.linear.scatter [tilespmem:s24], [sflag:$0x2], $0x2800, $0x38;
	[tilespmem:$0x1D200] =	vst v63  }
0x36: {  	_ =	swait.ge [sflag:s23], $0x2800  }
0x37: {  	[sflag:s23] =	ssyncset.done $0x0  }
0x38: {  	[sflag:s23] =	ssyncadd.s32 $0xFFFFD800  }
0x39: {  	[spmem:s10] =	stream.linear.scatter [tilespmem:s24], [sflag:$0x2], $0x2800, $0x38;
	[tilespmem:$0x1D200] =	vst v63  }
0x3a: {  	_ =	swait.ge [sflag:s23], $0x2800  }
0x3b: {  	[sflag:s23] =	ssyncset.done $0x0  }
0x3c: {  	[sflag:s23] =	ssyncadd.s32 $0xFFFFD800  }
0x3d: {  	[spmem:s11] =	stream.linear.scatter [tilespmem:s24], [sflag:$0x2], $0x2800, $0x38;
	[tilespmem:$0x1D200] =	vst v63  }
0x3e: {  	_ =	swait.ge [sflag:s23], $0x2800  }
0x3f: {  	[sflag:s23] =	ssyncset.done $0x0  }
0x40: {  	[sflag:s23] =	ssyncadd.s32 $0xFFFFD800  }
0x41: {  	[spmem:s12] =	stream.linear.scatter [tilespmem:s24], [sflag:$0x2], $0x2800, $0x38;
	[tilespmem:$0x1D200] =	vst v63  }
0x42: {  	_ =	swait.ge [sflag:s23], $0x2800  }
0x43: {  	[sflag:s23] =	ssyncset.done $0x0  }
0x44: {  	[sflag:s23] =	ssyncadd.s32 $0xFFFFD800  }
0x45: {  	[spmem:s13] =	stream.linear.scatter [tilespmem:s24], [sflag:$0x2], $0x2800, $0x38;
	[tilespmem:$0x1D200] =	vst v63  }
0x46: {  	_ =	swait.ge [sflag:s23], $0x2800  }
0x47: {  	[sflag:s23] =	ssyncset.done $0x0  }
0x48: {  	[sflag:s23] =	ssyncadd.s32 $0xFFFFD800  }
0x49: {  	[spmem:s14] =	stream.linear.scatter [tilespmem:s24], [sflag:$0x2], $0x2800, $0x38;
	[tilespmem:$0x1D200] =	vst v63  }
0x4a: {  	_ =	swait.ge [sflag:s23], $0x2800  }
0x4b: {  	[sflag:s23] =	ssyncset.done $0x0  }
0x4c: {  	[sflag:s23] =	ssyncadd.s32 $0xFFFFD800  }
0x4d: {  	s3 =	simm.s32 $0x0;
	[bflag:$0x0] =	sbarrier.arrive $0xFFFF  }
0x4e: {  	v1 =	vld [tilespmem:s3+$0x0];
	_ =	sdelay $0x4  }
0x4f: {  	v2 =	vand.u32 $0xFFFF, v1  }
0x50: {  	v1 =	vshra.s32 v1, $0x10;
	[tilespmem:$0x4000] =	vst v2  }
0x51: {  	[tilespmem:$0x4100] =	vst v1  }
0x52: {  	v1 =	vld [tilespmem:s3+$0x10];
	_ =	sdelay $0x4  }
0x53: {  	v2 =	vand.u32 $0xFFFF, v1  }
0x54: {  	v1 =	vshra.s32 v1, $0x10;
	[tilespmem:$0x4010] =	vst v2  }
0x55: {  	[tilespmem:$0x4110] =	vst v1  }
0x56: {  	v1 =	vld [tilespmem:s3+$0x20];
	_ =	sdelay $0x4  }
0x57: {  	v2 =	vand.u32 $0xFFFF, v1  }
0x58: {  	v1 =	vshra.s32 v1, $0x10;
	[tilespmem:$0x4020] =	vst v2  }
0x59: {  	[tilespmem:$0x4120] =	vst v1  }
0x5a: {  	v1 =	vld [tilespmem:s3+$0x30];
	_ =	sdelay $0x4  }
0x5b: {  	v2 =	vand.u32 $0xFFFF, v1  }
0x5c: {  	v1 =	vshra.s32 v1, $0x10;
	[tilespmem:$0x4030] =	vst v2  }
0x5d: {  	[tilespmem:$0x4130] =	vst v1  }
0x5e: {  	v1 =	vld [tilespmem:s3+$0x40];
	_ =	sdelay $0x4  }
0x5f: {  	v2 =	vand.u32 $0xFFFF, v1  }
0x60: {  	v1 =	vshra.s32 v1, $0x10;
	[tilespmem:$0x4040] =	vst v2  }
0x61: {  	[tilespmem:$0x4140] =	vst v1  }
0x62: {  	[tilespmem:s24], [sflag:$0x1] =	stream.indirect.gather [hbm4b:s4+s25], $0x80, s26, s25, $0xb8;
	[tilespmem:$0x1D200] =	vst v63  }
0x63: {  	s0 =	simm.s32 $0x200;
	_ =	swait.ge [sflag:s28], $0x2800  }
.LBB2_4:
0x64: {  	p0 =	sne.s32 s0, $0xF800  }
0x65: {  	[sflag:s28] =	ssyncset.done $0x0;
	s3 =	smov.u32 s0;
	s0 =	sadd.s32 $0x200, s0  }
0x66: {  	[sflag:s28] =	ssyncadd.s32 $0xFFFFD800  }
0x67: {  	[spmem:s1] =	stream.indirect.scatter.add.f32 [tilespmem:s24], [sflag:$0x2], $0x80, s29, s25, $0xb8;
	[tilespmem:$0x1D200] =	vst v63  }
0x68: {  	_ =	swait.ge [sflag:s23], $0x2800  }
0x69: {  	[sflag:s23] =	ssyncset.done $0x0  }
0x6a: {  	s3 =	sshra.s32 s3, $0x2;
	[sflag:s23] =	ssyncadd.s32 $0xFFFFD800  }
0x6b: {  	v1 =	vld [tilespmem:s3+$0x0];
	_ =	sdelay $0x4  }
0x6c: {  	v2 =	vand.u32 $0xFFFF, v1;
	v1 =	vshra.s32 v1, $0x10  }
0x6d: {  	[tilespmem:$0x4000] =	vst v2  }
0x6e: {  	[tilespmem:$0x4100] =	vst v1  }
0x6f: {  	v1 =	vld [tilespmem:s3+$0x10];
	_ =	sdelay $0x4  }
0x70: {  	v2 =	vand.u32 $0xFFFF, v1;
	v1 =	vshra.s32 v1, $0x10  }
0x71: {  	[tilespmem:$0x4010] =	vst v2  }
0x72: {  	[tilespmem:$0x4110] =	vst v1  }
0x73: {  	v1 =	vld [tilespmem:s3+$0x20];
	_ =	sdelay $0x4  }
0x74: {  	v2 =	vand.u32 $0xFFFF, v1;
	v1 =	vshra.s32 v1, $0x10  }
0x75: {  	[tilespmem:$0x4020] =	vst v2  }
0x76: {  	[tilespmem:$0x4120] =	vst v1  }
0x77: {  	v1 =	vld [tilespmem:s3+$0x30];
	_ =	sdelay $0x4  }
0x78: {  	v2 =	vand.u32 $0xFFFF, v1;
	v1 =	vshra.s32 v1, $0x10  }
0x79: {  	[tilespmem:$0x4030] =	vst v2  }
0x7a: {  	[tilespmem:$0x4130] =	vst v1  }
0x7b: {  	v1 =	vld [tilespmem:s3+$0x40];
	_ =	sdelay $0x4  }
.Ltmp1:
0x7c: {  	v2 =	vand.u32 $0xFFFF, v1;
	v1 =	vshra.s32 v1, $0x10;
	(pc) =	sbr.rel @p0 .LBB2_4-.Ltmp1, $4  }
0x7d: {  	[tilespmem:$0x4040] =	vst v2  }
0x7e: {  	[tilespmem:$0x4140] =	vst v1  }
0x7f: {  	[tilespmem:s24], [sflag:$0x1] =	stream.indirect.gather [hbm4b:s4+s25], $0x80, s26, s25, $0xb8;
	[tilespmem:$0x1D200] =	vst v63  }
0x80: {  	_ =	swait.ge [sflag:s28], $0x2800  }
0x81: {  	[sflag:s28] =	ssyncset.done $0x0  }
0x82: {  	[sflag:s28] =	ssyncadd.s32 $0xFFFFD800  }
0x83: {  	[spmem:s1] =	stream.indirect.scatter.add.f32 [tilespmem:s24], [sflag:$0x2], $0x80, s29, s25, $0xb8;
	[tilespmem:$0x1D200] =	vst v63  }
0x84: {  	_ =	swait.ge [sflag:s23], $0x2800  }
0x85: {  	[sflag:s23] =	ssyncset.done $0x0  }
0x86: {  	[sflag:s23] =	ssyncadd.s32 $0xFFFFD800  }
0x87: {  	[bflag:$0x0] =	sbarrier.arrive $0xFFFF  }
0x88: {  	[tilespmem:s30], [sflag:$0x2] =	stream.linear.gather [spmem:s6], $0x2800, $0x38;
	[tilespmem:$0x1D200] =	vst v63  }
0x89: {  	_ =	swait.ge [sflag:s23], $0x2800  }
0x8a: {  	[sflag:s23] =	ssyncset.done $0x0  }
0x8b: {  	[sflag:s23] =	ssyncadd.s32 $0xFFFFD800  }
0x8c: {  	[hbm4b:s15+s2] =	stream.linear.scatter [tilespmem:s30], [sflag:$0x2], $0x2800, $0x38;
	[tilespmem:$0x1D200] =	vst v63  }
0x8d: {  	_ =	swait.ge [sflag:s23], $0x2800  }
0x8e: {  	[sflag:s23] =	ssyncset.done $0x0  }
0x8f: {  	[sflag:s23] =	ssyncadd.s32 $0xFFFFD800  }
0x90: {  	[tilespmem:s30], [sflag:$0x2] =	stream.linear.gather [spmem:s8], $0x2800, $0x38;
	[tilespmem:$0x1D200] =	vst v63  }
0x91: {  	_ =	swait.ge [sflag:s23], $0x2800  }
0x92: {  	[sflag:s23] =	ssyncset.done $0x0  }
0x93: {  	[sflag:s23] =	ssyncadd.s32 $0xFFFFD800  }
0x94: {  	[hbm4b:s16+s2] =	stream.linear.scatter [tilespmem:s30], [sflag:$0x2], $0x2800, $0x38;
	[tilespmem:$0x1D200] =	vst v63  }
0x95: {  	_ =	swait.ge [sflag:s23], $0x2800  }
0x96: {  	[sflag:s23] =	ssyncset.done $0x0  }
0x97: {  	[sflag:s23] =	ssyncadd.s32 $0xFFFFD800  }
0x98: {  	[tilespmem:s30], [sflag:$0x2] =	stream.linear.gather [spmem:s9], $0x2800, $0x38;
	[tilespmem:$0x1D200] =	vst v63  }
0x99: {  	_ =	swait.ge [sflag:s23], $0x2800  }
0x9a: {  	[sflag:s23] =	ssyncset.done $0x0  }
0x9b: {  	[sflag:s23] =	ssyncadd.s32 $0xFFFFD800  }
0x9c: {  	[hbm4b:s17+s2] =	stream.linear.scatter [tilespmem:s30], [sflag:$0x2], $0x2800, $0x38;
	[tilespmem:$0x1D200] =	vst v63  }
0x9d: {  	_ =	swait.ge [sflag:s23], $0x2800  }
0x9e: {  	[sflag:s23] =	ssyncset.done $0x0  }
0x9f: {  	[sflag:s23] =	ssyncadd.s32 $0xFFFFD800  }
0xa0: {  	[tilespmem:s30], [sflag:$0x2] =	stream.linear.gather [spmem:s10], $0x2800, $0x38;
	[tilespmem:$0x1D200] =	vst v63  }
0xa1: {  	_ =	swait.ge [sflag:s23], $0x2800  }
0xa2: {  	[sflag:s23] =	ssyncset.done $0x0  }
0xa3: {  	[sflag:s23] =	ssyncadd.s32 $0xFFFFD800  }
0xa4: {  	[hbm4b:s18+s2] =	stream.linear.scatter [tilespmem:s30], [sflag:$0x2], $0x2800, $0x38;
	[tilespmem:$0x1D200] =	vst v63  }
0xa5: {  	_ =	swait.ge [sflag:s23], $0x2800  }
0xa6: {  	[sflag:s23] =	ssyncset.done $0x0  }
0xa7: {  	[sflag:s23] =	ssyncadd.s32 $0xFFFFD800  }
0xa8: {  	[tilespmem:s30], [sflag:$0x2] =	stream.linear.gather [spmem:s11], $0x2800, $0x38;
	[tilespmem:$0x1D200] =	vst v63  }
0xa9: {  	_ =	swait.ge [sflag:s23], $0x2800  }
0xaa: {  	[sflag:s23] =	ssyncset.done $0x0  }
0xab: {  	[sflag:s23] =	ssyncadd.s32 $0xFFFFD800  }
0xac: {  	[hbm4b:s19+s2] =	stream.linear.scatter [tilespmem:s30], [sflag:$0x2], $0x2800, $0x38;
	[tilespmem:$0x1D200] =	vst v63  }
0xad: {  	_ =	swait.ge [sflag:s23], $0x2800  }
0xae: {  	[sflag:s23] =	ssyncset.done $0x0  }
0xaf: {  	[sflag:s23] =	ssyncadd.s32 $0xFFFFD800  }
0xb0: {  	[tilespmem:s30], [sflag:$0x2] =	stream.linear.gather [spmem:s12], $0x2800, $0x38;
	[tilespmem:$0x1D200] =	vst v63  }
0xb1: {  	_ =	swait.ge [sflag:s23], $0x2800  }
0xb2: {  	[sflag:s23] =	ssyncset.done $0x0  }
0xb3: {  	[sflag:s23] =	ssyncadd.s32 $0xFFFFD800  }
0xb4: {  	[hbm4b:s20+s2] =	stream.linear.scatter [tilespmem:s30], [sflag:$0x2], $0x2800, $0x38;
	[tilespmem:$0x1D200] =	vst v63  }
0xb5: {  	_ =	swait.ge [sflag:s23], $0x2800  }
0xb6: {  	[sflag:s23] =	ssyncset.done $0x0  }
0xb7: {  	[sflag:s23] =	ssyncadd.s32 $0xFFFFD800  }
0xb8: {  	[tilespmem:s30], [sflag:$0x2] =	stream.linear.gather [spmem:s13], $0x2800, $0x38;
	[tilespmem:$0x1D200] =	vst v63  }
0xb9: {  	_ =	swait.ge [sflag:s23], $0x2800  }
0xba: {  	[sflag:s23] =	ssyncset.done $0x0  }
0xbb: {  	[sflag:s23] =	ssyncadd.s32 $0xFFFFD800  }
0xbc: {  	[hbm4b:s21+s2] =	stream.linear.scatter [tilespmem:s30], [sflag:$0x2], $0x2800, $0x38;
	[tilespmem:$0x1D200] =	vst v63  }
0xbd: {  	_ =	swait.ge [sflag:s23], $0x2800  }
0xbe: {  	[sflag:s23] =	ssyncset.done $0x0  }
0xbf: {  	[sflag:s23] =	ssyncadd.s32 $0xFFFFD800  }
0xc0: {  	[tilespmem:s30], [sflag:$0x2] =	stream.linear.gather [spmem:s14], $0x2800, $0x38;
	[tilespmem:$0x1D200] =	vst v63  }
0xc1: {  	s31 =	sadd.s32 $0x1, s31;
	_ =	swait.ge [sflag:s23], $0x2800  }
0xc2: {  	p0 =	sne.s32 s31, s7;
	[sflag:s23] =	ssyncset.done $0x0  }
.Ltmp2:
0xc3: {  	[sflag:s23] =	ssyncadd.s32 $0xFFFFD800;
	(pc) =	sbr.rel @p0 .LBB2_1-.Ltmp2, $4  }
0xc4: {  	[hbm4b:s22+s2] =	stream.linear.scatter [tilespmem:s30], [sflag:$0x2], $0x2800, $0x38;
	[tilespmem:$0x1D200] =	vst v63  }
0xc5: {  	_ =	swait.ge [sflag:s23], $0x2800  }
0xc6: {  	[sflag:s23] =	ssyncset.done $0x0  }
0xc7: {  	[sflag:s23] =	ssyncadd.s32 $0xFFFFD800  }
0xc8: {  	_ =	sfence.sel $0x180000  }
0xc9: {  	[bflag:$0x0] =	sbarrier.arrive $0xFFFF  }
0xca: {  	_ =	strace $0x9000004D  }
0xcb: {  	s0 =	stileid.u32;
	[bflag:$0x2] =	sbarrier.arrive $0xFFFF  }
0xcc: {  	p0 =	sne.s32 s0, $0x0;
	s0 =	rddreg [dreg:$0x2]  }
0xcd: {  	s0 =	sadd.s32 @!p0 $0x100000, s0  }
0xce: {  	[sflag:s0] =	ssyncadd.tile.s32 @!p0 $0x1;
	_ =	shalt  }
.Lfunc_end2:
_tile_overlayer_lowered:
.L_overlay_start_2:
0xcf: {  	(tag) =	ssettag $0x2  }
0xd0: {  	s0 =	rddreg [dreg:$0x0];
	s2 =	stileid.u32  }
0xd1: {  	s1 =	rddreg [dreg:$0x1];
	p0 =	sne.s32 s2, $0x0  }
0xd2: {  	s3 =	rddreg [dreg:$0x2];
	[bflag:$0x3] =	sbarrier.arrive $0xFFFF;
	s2 =	simm.s32 @!p0 $0x1C02  }
0xd3: {  	[timem:s3], [sflag:s2] =	dma.local @!p0 [hbm:s0], s1  }
0xd4: {  	s0 =	simm.s32 @!p0 $0x2  }
0xd5: {  	_ =	swait.ge @!p0 [sflag:s0], s1  }
0xd6: {  	s1 =	ssub.s32 @!p0 $0x0, s1;
	[sflag:s0] =	ssyncset.done @!p0 $0x0  }
0xd7: {  	[sflag:s0] =	ssyncadd.s32 @!p0 s1  }
0xd8: {  	[bflag:$0x3] =	sbarrier.arrive $0xFFFF  }
0xd9: {  	_ =	shalt  }

// kernel: kernel.8.cloned.1.call-start
scs
__scs_entry_jumppad:
0x0: {  	(pc) =	sbr.rel $0x88, $3  }
0x1: {  	(tag) =	ssettag $0x0;
	lr =	simm.s32 $0x1  }
0x2: {  	[smem:$0x3F9B] =	sst lr;
	_ =	strace $0xD0000000  }
0x3: {  	_ = 	snop  }
0x4: {  	_ = 	snop  }
0x5: {  	_ = 	snop  }
0x6: {  	_ = 	snop  }
0x7: {  	_ = 	snop  }
__scs_overlays_trampoline_lowered:
0x8: {  	[smem:$0x3FAA] =	sst s0  }
0x9: {  	[smem:$0x3FAB] =	sst s1  }
0xa: {  	[smem:$0x3FAC] =	sst s2  }
0xb: {  	[smem:$0x3FAD] =	sst s3  }
0xc: {  	[smem:$0x3FAE] =	sst s4  }
0xd: {  	[smem:$0x3FAF] =	sst s5  }
0xe: {  	[smem:$0x3FB0] =	sst s6  }
0xf: {  	[smem:$0x3FB1] =	sst s7  }
0x10: {  	[smem:$0x3FB2] =	sst s8  }
0x11: {  	[smem:$0x3FB3] =	sst s9;
	s0 =	simm.s32 @!p0 $0x0  }
0x12: {  	s1 =	sld [smem:$0x3F99];
	s0 =	simm.s32 @p0 $0x1  }
0x13: {  	[smem:$0x3FB4] =	sst s0;
	s0 =	simm.s32 @!p1 $0x0  }
0x14: {  	s2 =	sld [smem:$0x3F98];
	s0 =	simm.s32 @p1 $0x1  }
0x15: {  	[smem:$0x3FB5] =	sst s0;
	s0 =	simm.s32 @!p2 $0x0  }
0x16: {  	s3 =	sld [smem:$0x3FDB];
	s0 =	simm.s32 @p2 $0x1  }
0x17: {  	s4 =	simm.s32 $0x1BF5;
	[smem:$0x3FB7] =	sst s0  }
0x18: {  	s0 =	sld [smem:$0x3F9A];
	_ =	swait.ge [sflag:s4], $0x0  }
0x19: {  	s7 =	sld [smem:$0x3F9B]  }
0x1a: {  	s8 =	sadd.s32 $0xFFFFE003, lr  }
0x1b: {  	s9 =	sadd.s32 $0xFFFFFEF7, lr;
	s5 =	simm.s32 $0xFFFFFFFF;
	p2 =	slt.u32 s8, $0xFFFFF086  }
0x1c: {  	p1 =	slt.u32 s9, $0xF7A;
	s5 =	simm.s32 @!p2 $0x0  }
0x1d: {  	s5 =	simm.s32 @p1 $0x1;
	p0 =	seq.s32 s7, s2  }
0x1e: {  	s7 =	smul.u32 @!p0 $0xF7A, s2;
	p2 =	seq.s32 @!p0 s5, $0x0  }
0x1f: {  	s9 =	smul.u32 $0xF7A, s1;
	s8 =	simm.s32 @!p0 $0x1BF5;
	p2 =	por !p2, p0  }
0x20: {  	[sflag:s8] =	ssyncset.s32 @!p0 $0xFFFFF086;
	s6 =	sadd.s32 @!p0 s3, s7;
	s7 =	simm.s32 @!p0 $0x108  }
0x21: {  	s3 =	sadd.s32 s3, s9;
	s6 =	sadd.s32 @!p0 $0x88, s6;
	s7 =	simm.s32 @p2 $0x1082  }
0x22: {  	[simem:s7], [sflag:s8] =	dma.local @!p0 [hbm:s6], $0xF7A  }
0x23: {  	s9 =	sor.u32 $0xD0000000, s2;
	s6 =	simm.s32 $0x108;
	_ =	swait.ge @!p0 [sflag:s8], $0x0  }
0x24: {  	s3 =	sadd.s32 $0x88, s3;
	s6 =	simm.s32 @!p1 $0x1082;
	[sflag:s4] =	ssyncset.s32 $0xFFFFF086  }
0x25: {  	[simem:s6], [sflag:s4] =	dma.local [hbm:s3], $0xF7A  }
0x26: {  	[smem:$0x3F9B] =	sst s1;
	(tag) =	ssettag s2;
	_ =	strace s9  }
0x27: {  	s1 =	sld [smem:$0x3FAB]  }
0x28: {  	s2 =	sld [smem:$0x3FAC]  }
0x29: {  	s4 =	sld [smem:$0x3FAE]  }
0x2a: {  	p0 =	seq.s32 s5, $0x0;
	s5 =	sld [smem:$0x3FAF]  }
0x2b: {  	s6 =	sld [smem:$0x3FB0]  }
0x2c: {  	s7 =	sld [smem:$0x3FB1]  }
0x2d: {  	s3 =	simm.s32 $0x108;
	s8 =	sld [smem:$0x3FB2]  }
0x2e: {  	s3 =	simm.s32 @!p0 $0x1082;
	s9 =	sld [smem:$0x3FB3]  }
0x2f: {  	lr =	sadd.s32 s0, s3;
	s0 =	sld [smem:$0x3FAA]  }
0x30: {  	s3 =	sld [smem:$0x3FAD]  }
0x31: {  	[smem:$0x3FB6] =	sst s10  }
0x32: {  	s10 =	sld [smem:$0x3FB4];
	_ =	sdelay $0x3  }
0x33: {  	p0 =	seq.s32 s10, $0x1;
	s10 =	sld [smem:$0x3FB6];
	_ =	sdelay $0x3  }
0x34: {  	[smem:$0x3FB6] =	sst s10  }
0x35: {  	s10 =	sld [smem:$0x3FB5];
	_ =	sdelay $0x3  }
0x36: {  	p1 =	seq.s32 s10, $0x1;
	s10 =	sld [smem:$0x3FB6];
	_ =	sdelay $0x3  }
0x37: {  	[smem:$0x3FB6] =	sst s10  }
0x38: {  	s10 =	sld [smem:$0x3FB7]  }
0x39: {  	_ = 	snop;
	(pc) =	sbr.ind lr, $3  }
0x3a: {  	_ = 	snop  }
0x3b: {  	_ = 	snop  }
0x3c: {  	p2 =	seq.s32 s10, $0x1;
	s10 =	sld [smem:$0x3FB6]  }
0x3d: {  	_ =	shalt  }
0x3e: {  	_ =	shalt  }
0x3f: {  	_ =	shalt  }
0x40: {  	_ =	shalt  }
0x41: {  	_ =	shalt  }
0x42: {  	_ =	shalt  }
0x43: {  	_ =	shalt  }
0x44: {  	_ =	shalt  }
0x45: {  	_ =	shalt  }
0x46: {  	_ =	shalt  }
0x47: {  	_ =	shalt  }
0x48: {  	_ =	shalt  }
0x49: {  	_ =	shalt  }
0x4a: {  	_ =	shalt  }
0x4b: {  	_ =	shalt  }
0x4c: {  	_ =	shalt  }
0x4d: {  	_ =	shalt  }
0x4e: {  	_ =	shalt  }
0x4f: {  	_ =	shalt  }
0x50: {  	_ =	shalt  }
0x51: {  	_ =	shalt  }
0x52: {  	_ =	shalt  }
0x53: {  	_ =	shalt  }
0x54: {  	_ =	shalt  }
0x55: {  	_ =	shalt  }
0x56: {  	_ =	shalt  }
0x57: {  	_ =	shalt  }
0x58: {  	_ =	shalt  }
0x59: {  	_ =	shalt  }
0x5a: {  	_ =	shalt  }
0x5b: {  	_ =	shalt  }
0x5c: {  	_ =	shalt  }
0x5d: {  	_ =	shalt  }
0x5e: {  	_ =	shalt  }
0x5f: {  	_ =	shalt  }
0x60: {  	_ =	shalt  }
0x61: {  	_ =	shalt  }
0x62: {  	_ =	shalt  }
0x63: {  	_ =	shalt  }
0x64: {  	_ =	shalt  }
0x65: {  	_ =	shalt  }
0x66: {  	_ =	shalt  }
0x67: {  	_ =	shalt  }
0x68: {  	_ =	shalt  }
0x69: {  	_ =	shalt  }
0x6a: {  	_ =	shalt  }
0x6b: {  	_ =	shalt  }
0x6c: {  	_ =	shalt  }
0x6d: {  	_ =	shalt  }
0x6e: {  	_ =	shalt  }
0x6f: {  	_ =	shalt  }
0x70: {  	_ =	shalt  }
0x71: {  	_ =	shalt  }
0x72: {  	_ =	shalt  }
0x73: {  	_ =	shalt  }
0x74: {  	_ =	shalt  }
0x75: {  	_ =	shalt  }
0x76: {  	_ =	shalt  }
0x77: {  	_ =	shalt  }
0x78: {  	_ =	shalt  }
0x79: {  	_ =	shalt  }
0x7a: {  	_ =	shalt  }
0x7b: {  	_ =	shalt  }
0x7c: {  	_ =	shalt  }
0x7d: {  	_ =	shalt  }
0x7e: {  	_ =	shalt  }
0x7f: {  	_ =	shalt  }
0x80: {  	_ =	shalt  }
0x81: {  	_ =	shalt  }
0x82: {  	_ =	shalt  }
0x83: {  	_ =	shalt  }
0x84: {  	_ =	shalt  }
0x85: {  	_ =	shalt  }
0x86: {  	_ =	shalt  }
0x87: {  	_ =	shalt  }
.Lfunc_end0:
.L_simem_size_0:
called_computation_lowered:
.L_overlay_start_0:
0x88: {  	s2 =	sld [smem:$0x3FD9]  }
0x89: {  	s3 =	sld [smem:$0x3FFE];
	_ =	sdelay $0x1  }
0x8a: {  	s1 =	srdreg.scid  }
0x8b: {  	s0 =	sand.u32 $0x1, s1  }
0x8c: {  	s17 =	sshll.u32 s0, $0xA;
	s2 =	sadd.s32 s3, s2  }
0x8d: {  	s2 =	sadd.s32 s2, s17  }
0x8e: {  	[smem:$0x3FC2] =	sst s2  }
0x8f: {  	_ = 	snop  }
0x90: {  	s2 =	sld [smem:$0x3FD0];
	(tm) =	ssettm $0x1  }
0x91: {  	s18 =	sld [smem:$0x3FFB];
	_ =	sdelay $0x3  }
0x92: {  	_ =	strace s18  }
0x93: {  	s3 =	sld [smem:$0x3FFC];
	_ =	sdelay $0x3  }
0x94: {  	_ =	strace s3  }
0x95: {  	s3 =	sld [smem:$0x3FFD];
	_ =	sdelay $0x3  }
0x96: {  	_ =	strace s3  }
0x97: {  	_ =	strace $0x8FFFFFFF  }
0x98: {  	s19 =	sld [smem:$0x3FDB];
	_ =	sdelay $0x1  }
0x99: {  	s4 =	simm.s32 $_scs_section_size  }
0x9a: {  	s5 =	simm.s32 $_size__tile_overlayer_lowered;
	s6 =	simm.s32 $_tile_overlayer_lowered  }
0x9b: {  	s22 =	simm.s32 $0x1BFF;
	s21 =	sshll.u32 s6, $0x1;
	s3 =	sadd.s32 s4, s19  }
0x9c: {  	s7 =	simm.s32 $0x0;
	s20 =	sshll.u32 s5, $0x1;
	s5 =	sadd.s32 s21, s3  }
0x9d: {  	[timem:s7], [sflag:s22] =	dma.local [hbm:s5], s20  }
0x9e: {  	_ =	swait.ge [sflag:s22], s20  }
0x9f: {  	s4 =	ssub.s32 $0x0, s20;
	[sflag:s22] =	ssyncset.done $0x0  }
0xa0: {  	[sflag:s22] =	ssyncadd.s32 s4;
	_ =	sdelay $0x1  }
0xa1: {  	s23 =	simm.s32 $0x1B8B  }
0xa2: {  	_ =	swait.ge [sflag:s23], $0x1  }
0xa3: {  	[sflag:s23] =	ssyncset.done $0x0  }
0xa4: {  	s25 =	simm.s32 $0x1B8E;
	s24 =	sld [smem:$0x3FFE];
	[sflag:s23] =	ssyncadd.s32 $0xFFFFFFFF  }
0xa5: {  	s26 =	simm.s32 $execute0_lowered;
	[smem:$0x3FD2] =	sst s25  }
0xa6: {  	s5 =	sshll.u32 s26, $0x1;
	_ =	strace $0x80000046;
	[dreg:$0x1] =	wrdreg $0xFFFFFFFF  }
0xa7: {  	s28 =	simm.s32 $_size_execute0_lowered;
	s3 =	sadd.s32 s3, s5;
	[dreg:$0x0] =	wrdreg $0x0  }
0xa8: {  	s5 =	sshll.u32 s28, $0x1;
	[dreg:$0x2] =	wrdreg s3  }
0xa9: {  	[dreg:$0x3] =	wrdreg s5  }
0xaa: {  	[dreg:$0x4] =	wrdreg $0xC0  }
0xab: {  	_ =	task [dreg:s7], $0x5FFFF  }
0xac: {  	[dreg:$0x1] =	wrdreg $0xFFFFFFFF  }
0xad: {  	[dreg:$0x0] =	wrdreg $0x60  }
0xae: {  	[dreg:$0x2] =	wrdreg s2  }
0xaf: {  	[dreg:$0x3] =	wrdreg s24  }
0xb0: {  	[dreg:$0x4] =	wrdreg $0x43000  }
0xb1: {  	[dreg:$0x5] =	wrdreg $0x9  }
0xb2: {  	_ =	task.clear_ibuf [dreg:s7], $0x6FFFF;
	_ =	strace $0x90000046  }
0xb3: {  	s29 =	simm.s32 $0x9;
	_ =	strace $0x80000048  }
0xb4: {  	_ =	swait.ge [sflag:s29], $0x1  }
0xb5: {  	[sflag:s29] =	ssyncadd.s32 $0xFFFFFFFF  }
0xb6: {  	_ =	strace $0x90000048  }
0xb7: {  	_ =	sfence  }
0xb8: {  	s30 =	sld [smem:$0x0];
	_ =	sdelay $0x2  }
0xb9: {  	s31 =	sshll.u32 s1, $0xD;
	s1 =	sshrl.u32 s1, $0x2  }
0xba: {  	s3 =	sand.u32 $0x4000, s31;
	s1 =	sadd.s32 s1, s30  }
0xbb: {  	s0 =	sor.u32 s3, s0;
	s1 =	sshll.u32 s1, $0x11  }
0xbc: {  	s0 =	sor.u32 s1, s0  }
0xbd: {  	s0 =	sadd.s32 $0x8F2B, s0  }
0xbe: {  	[sflag:s0] =	ssyncadd.remote.s32 $0x1  }
0xbf: {  	_ =	sfence.sel $0xFFFF  }
0xc0: {  	[dreg:$0x0] =	wrdreg $0xFFFFFFFF;
	(pc) =	sbr.abs _section_cstart, $3  }
0xc1: {  	[dreg:$0x1] =	wrdreg $0xFFFFFFFF  }
0xc2: {  	_ =	task.clear_ibuf [dreg:s7], $0x2FFFF;
	_ =	strace $0x9FFFFFFF  }
0xc3: {  	(tm) =	ssettm $0x7FFFFFFF  }
tec
execute0_lowered:
.L_overlay_start_1:
0x0: {  	(tag) =	ssettag $0x1  }
0x1: {  	s4 =	rddreg [dreg:$0x0]  }
0x2: {  	s5 =	rddreg [dreg:$0x1]  }
0x3: {  	s2 =	rddreg [dreg:$0x2]  }
0x4: {  	s0 =	rddreg [dreg:$0x3]  }
0x5: {  	s6 =	srdreg.scid;
	s1 =	stileid.u32;
	s3 =	simm.s32 $0x0  }
0x6: {  	s11 =	simm.s32 $0x4000;
	s12 =	simm.s32 $0x80;
	s13 =	simm.s32 $0x100  }
0x7: {  	s14 =	simm.s32 $0x0;
	s6 =	sand.u32 $0x1, s6;
	s7 =	smul.u32 $0x500, s1  }
0x8: {  	[smem:$0x7FF] =	sst s3;
	s9 =	smul.u32 $0xA00, s1;
	s10 =	sshll.u32 s1, $0xC  }
0x9: {  	s8 =	sshll.u32 s6, $0x7;
	_ =	strace $0x80000047;
	s29 =	ssub.s32 $0x2, s6  }
0xa: {  	s6 =	sshll.u32 s6, $0xB;
	s7 =	sor.u32 s8, s7;
	s30 =	sshrl.u32 s29, $0x1  }
0xb: {  	s4 =	sadd.s32 s4, s6;
	s31 =	sshrl.u32 s9, $0x2;
	s9 =	simm.s32 $0x4080  }
0xc: {  	s7 =	sshrl.u32 s7, $0x3;
	s8 =	ssub.s32 s29, s30;
	s4 =	sadd.s32 s10, s4  }
0xd: {  	s10 =	simm.s32 $0x50;
	s7 =	sadd.s32 s7, s5;
	s5 =	sadd.s32 s31, s2  }
0xe: {  	v0 =	vimm.f32 $1.000000000e+00;
	v1 =	vimm.f32 $0.0e+00;
	s6 =	sadd.s32 $0x2600, s7;
	s7 =	smax.u32 s8, $0x1;
	s8 =	simm.s32 $0x1  }
.LBB2_1:
0xf: {  	[tilespmem:s3], [sflag:$0x1] =	stream.linear.gather [hbm4b:s4+s3], $0x3E80, $0x38;
	[tilespmem:$0x4580] =	vst v63  }
0x10: {  	_ =	swait.ge [sflag:s8], $0x3E80  }
0x11: {  	[sflag:s8] =	ssyncset.done $0x0  }
0x12: {  	[sflag:s8] =	ssyncadd.s32 $0xFFFFC180  }
0x13: {  	[tilespmem:$0x4000] =	vst v0  }
0x14: {  	[tilespmem:$0x4010] =	vst v0  }
0x15: {  	[tilespmem:$0x4020] =	vst v0  }
0x16: {  	[tilespmem:$0x4030] =	vst v0  }
0x17: {  	[tilespmem:$0x4040] =	vst v0  }
0x18: {  	[tilespmem:$0x4080] =	vst v1  }
0x19: {  	[tilespmem:$0x4090] =	vst v1  }
0x1a: {  	[tilespmem:$0x40A0] =	vst v1  }
0x1b: {  	[tilespmem:$0x40B0] =	vst v1  }
0x1c: {  	[tilespmem:$0x40C0] =	vst v1  }
0x1d: {  	[tilespmem:$0x40D0] =	vst v1  }
0x1e: {  	[tilespmem:$0x40E0] =	vst v1  }
0x1f: {  	[tilespmem:$0x40F0] =	vst v1  }
0x20: {  	[tilespmem:$0x4100] =	vst v1  }
0x21: {  	[tilespmem:$0x4110] =	vst v1  }
0x22: {  	[tilespmem:$0x4120] =	vst v1  }
0x23: {  	[tilespmem:$0x4130] =	vst v1  }
0x24: {  	[tilespmem:$0x4140] =	vst v1  }
0x25: {  	[tilespmem:$0x4150] =	vst v1  }
0x26: {  	[tilespmem:$0x4160] =	vst v1  }
0x27: {  	[tilespmem:$0x4170] =	vst v1  }
0x28: {  	[tilespmem:$0x4180] =	vst v1  }
0x29: {  	[tilespmem:$0x4190] =	vst v1  }
0x2a: {  	[tilespmem:$0x41A0] =	vst v1  }
0x2b: {  	[tilespmem:$0x41B0] =	vst v1  }
0x2c: {  	[tilespmem:$0x41C0] =	vst v1  }
0x2d: {  	[tilespmem:$0x41D0] =	vst v1  }
0x2e: {  	[tilespmem:$0x41E0] =	vst v1  }
0x2f: {  	[tilespmem:$0x41F0] =	vst v1  }
0x30: {  	[tilespmem:$0x4200] =	vst v1  }
0x31: {  	[tilespmem:$0x4210] =	vst v1  }
0x32: {  	[tilespmem:$0x4220] =	vst v1  }
0x33: {  	[tilespmem:$0x4230] =	vst v1  }
0x34: {  	[tilespmem:$0x4240] =	vst v1  }
0x35: {  	[tilespmem:$0x4250] =	vst v1  }
0x36: {  	[tilespmem:$0x4260] =	vst v1  }
0x37: {  	[tilespmem:$0x4270] =	vst v1  }
0x38: {  	[tilespmem:$0x4280] =	vst v1  }
0x39: {  	[tilespmem:$0x4290] =	vst v1  }
0x3a: {  	[tilespmem:$0x42A0] =	vst v1  }
0x3b: {  	[tilespmem:$0x42B0] =	vst v1  }
0x3c: {  	[tilespmem:$0x42C0] =	vst v1  }
0x3d: {  	[tilespmem:$0x42D0] =	vst v1  }
0x3e: {  	[tilespmem:$0x42E0] =	vst v1  }
0x3f: {  	[tilespmem:$0x42F0] =	vst v1  }
0x40: {  	[spmem:s5] =	stream.linear.scatter [tilespmem:s9], [sflag:$0x1], $0x280, $0x38;
	[tilespmem:$0x4580] =	vst v63  }
0x41: {  	_ =	swait.ge [sflag:s8], $0x280  }
0x42: {  	[sflag:s8] =	ssyncset.done $0x0  }
0x43: {  	[sflag:s8] =	ssyncadd.s32 $0xFFFFFD80  }
0x44: {  	s15 =	simm.s32 $0x0;
	[bflag:$0x0] =	sbarrier.arrive $0xFFFF  }
0x45: {  	[spmem:s2] =	stream.indirect.scatter.add.f32 [tilespmem:s11], [sflag:$0x1], $0x1, s15, s10, $0xb8;
	[tilespmem:$0x4580] =	vst v63  }
0x46: {  	_ =	swait.ge [sflag:s8], $0x50  }
0x47: {  	s15 =	simm.s32 $0x200;
	[sflag:s8] =	ssyncset.done $0x0  }
.LBB2_2:
0x48: {  	s16 =	sshra.s32 s15, $0x2;
	[sflag:s8] =	ssyncadd.s32 $0xFFFFFFB0;
	p0 =	sne.s32 s15, $0xF800  }
0x49: {  	[spmem:s2] =	stream.indirect.scatter.add.f32 [tilespmem:s11], [sflag:$0x1], $0x1, s16, s10, $0xb8;
	[tilespmem:$0x4580] =	vst v63  }
.Ltmp0:
0x4a: {  	_ = 	snop;
	(pc) =	sbr.rel @p0 .LBB2_2-.Ltmp0, $4  }
0x4b: {  	_ = 	snop  }
0x4c: {  	s15 =	sadd.s32 $0x200, s15  }
0x4d: {  	_ =	swait.ge [sflag:s8], $0x50  }
0x4e: {  	[sflag:s8] =	ssyncset.done $0x0  }
0x4f: {  	[sflag:s8] =	ssyncadd.s32 $0xFFFFFFB0  }
0x50: {  	[bflag:$0x0] =	sbarrier.arrive $0xFFFF  }
0x51: {  	[tilespmem:s9], [sflag:$0x1] =	stream.linear.gather [spmem:s5], $0x280, $0x38;
	[tilespmem:$0x4580] =	vst v63  }
0x52: {  	s14 =	sadd.s32 $0x1, s14;
	_ =	swait.ge [sflag:s8], $0x280  }
0x53: {  	p0 =	sne.s32 s14, s7;
	[sflag:s8] =	ssyncset.done $0x0  }
.Ltmp1:
0x54: {  	[sflag:s8] =	ssyncadd.s32 $0xFFFFFD80;
	(pc) =	sbr.rel @p0 .LBB2_1-.Ltmp1, $4  }
0x55: {  	[hbm4b:s6+s12] =	stream.strided.scatter [tilespmem:s9], [sflag:$0x1], $0x280, s13, s12, $0x38;
	[tilespmem:$0x4580] =	vst v63  }
0x56: {  	_ =	swait.ge [sflag:s8], $0x280  }
0x57: {  	[sflag:s8] =	ssyncset.done $0x0  }
0x58: {  	[sflag:s8] =	ssyncadd.s32 $0xFFFFFD80  }
0x59: {  	_ =	sfence.sel $0x180000  }
0x5a: {  	[bflag:$0x0] =	sbarrier.arrive $0xFFFF  }
0x5b: {  	p0 =	sne.s32 s1, $0x0;
	_ =	strace $0x90000047  }
0x5c: {  	s0 =	sadd.s32 @!p0 $0x100000, s0;
	[bflag:$0x2] =	sbarrier.arrive $0xFFFF  }
0x5d: {  	[sflag:s0] =	ssyncadd.tile.s32 @!p0 $0x1;
	_ =	shalt  }
.Lfunc_end2:
_tile_overlayer_lowered:
.L_overlay_start_2:
0x5e: {  	(tag) =	ssettag $0x2  }
0x5f: {  	s0 =	rddreg [dreg:$0x0];
	s2 =	stileid.u32  }
0x60: {  	s1 =	rddreg [dreg:$0x1];
	p0 =	sne.s32 s2, $0x0  }
0x61: {  	s3 =	rddreg [dreg:$0x2];
	[bflag:$0x3] =	sbarrier.arrive $0xFFFF;
	s2 =	simm.s32 @!p0 $0x1C01  }
0x62: {  	[timem:s3], [sflag:s2] =	dma.local @!p0 [hbm:s0], s1  }
0x63: {  	s0 =	simm.s32 @!p0 $0x1  }
0x64: {  	_ =	swait.ge @!p0 [sflag:s0], s1  }
0x65: {  	s1 =	ssub.s32 @!p0 $0x0, s1;
	[sflag:s0] =	ssyncset.done @!p0 $0x0  }
0x66: {  	[sflag:s0] =	ssyncadd.s32 @!p0 s1  }
0x67: {  	[bflag:$0x3] =	sbarrier.arrive $0xFFFF  }
0x68: {  	_ =	shalt  }

</sc_bundles>
